<compile_context>
chip_gen: v7x
topology: tpu7x:2x2x1
jax: 0.10.2.dev20260603
libtpu: 0.0.44.dev20260713+nightly
codegen_flags: <defaults>
</compile_context>

<pallas_src>
import functools

import jax
import jax.numpy as jnp
from jax import lax
from jax.experimental import pallas as pl
from jax.experimental.pallas import tpu as pltpu
from jax.experimental.pallas import tpu_sc as plsc


def _sc_gather(table, idx2, n_rows, feat):
    info = plsc.get_sparse_core_info()
    ncores = info.num_cores
    nw = ncores * info.num_subcores
    rows_per_w = n_rows // nw
    ch = 128
    n_ch = rows_per_w // ch
    mesh = plsc.VectorSubcoreMesh(core_axis_name="c", subcore_axis_name="s")

    @functools.partial(
        pl.kernel,
        mesh=mesh,
        out_type=jax.ShapeDtypeStruct((n_rows, feat), jnp.float32),
        scratch_types=[
            pltpu.VMEM((n_ch, ch), jnp.int32),
            pltpu.VMEM((ch, feat), jnp.float32),
            pltpu.VMEM((ch, feat), jnp.float32),
            pltpu.SemaphoreType.DMA,
            pltpu.SemaphoreType.DMA,
            pltpu.SemaphoreType.DMA,
            pltpu.SemaphoreType.DMA,
        ],
    )
    def gather_kernel(table_hbm, idx_hbm, out_hbm, idx_v, rows_a, rows_b,
                      gsem_a, gsem_b, osem_a, osem_b):
        wid = lax.axis_index("s") * ncores + lax.axis_index("c")
        base = wid * rows_per_w
        bufs = (rows_a, rows_b)
        gsems = (gsem_a, gsem_b)
        osems = (osem_a, osem_b)
        pltpu.sync_copy(idx_hbm.at[pl.ds(wid * n_ch, n_ch)], idx_v)
        gathers = [None] * n_ch
        stores = [None] * n_ch
        gathers[0] = pltpu.async_copy(
            table_hbm.at[idx_v.at[0]], bufs[0], gsems[0])
        for j in range(n_ch):
            b = j & 1
            gathers[j].wait()
            if j + 1 < n_ch:
                if j >= 1:
                    stores[j - 1].wait()
                gathers[j + 1] = pltpu.async_copy(
                    table_hbm.at[idx_v.at[j + 1]], bufs[1 - b], gsems[1 - b])
            stores[j] = pltpu.async_copy(
                bufs[b], out_hbm.at[pl.ds(base + j * ch, ch)], osems[b])
        stores[n_ch - 2].wait()
        stores[n_ch - 1].wait()

    return gather_kernel(table, idx2)


def _recurrence(emb, tok2, wih_t, whh_t, b_sum2, bhh_n2, wh1_t, b_h12,
                seq_len, nb, e, na, chunk):
    n_grid = seq_len // chunk

    def _sigm(x):
        return 0.5 * jnp.tanh(0.5 * x) + 0.5

    def body(emb_ref, tok_ref, wih_ref, whh_ref, bsum_ref, bhhn_ref,
             wh1_ref, bh1_ref, probs_ref, gi_ref, h_ref, dead_ref):
        i = pl.program_id(0)

        @pl.when(i == 0)
        def _init():
            h_ref[...] = jnp.zeros_like(h_ref)
            dead_ref[...] = jnp.zeros_like(dead_ref)

        gi_ref[...] = jnp.reshape(
            jnp.dot(emb_ref[...], wih_ref[...],
                    preferred_element_type=jnp.float32)
            + bsum_ref[...],
            (chunk, nb, 3 * e),
        )

        zt3 = (tok_ref[...] == 0).astype(jnp.float32)
        need = (jnp.max(zt3) > 0.0) | (jnp.max(dead_ref[...]) > 0.0)

        @pl.when(need)
        def _sieve():
            zero1 = jnp.zeros((1, nb, 1), jnp.float32)
            m3 = zt3
            sh = 1
            while sh < chunk:
                shifted = jnp.concatenate(
                    [jnp.zeros((sh, nb, 1), jnp.float32), m3[:chunk - sh]],
                    axis=0)
                m3 = jnp.maximum(m3, shifted)
                sh *= 2
            exc3 = jnp.concatenate([zero1, m3[:chunk - 1]], axis=0)
            dead3 = jnp.maximum(exc3, dead_ref[...])
            gi_ref[:, :, e:2 * e] = gi_ref[:, :, e:2 * e] + dead3 * 1e9
            dead_ref[...] = jnp.maximum(dead_ref[...], m3[chunk - 1:chunk])

        whh_rz = whh_ref[:, :2 * e]
        whh_n = whh_ref[:, 2 * e:]
        bhhn = bhhn_ref[...]

        def step(t, h):
            g = gi_ref[t]
            gh_rz = jnp.dot(h, whh_rz, preferred_element_type=jnp.float32)
            gh_n = jnp.dot(h, whh_n, preferred_element_type=jnp.float32)
            r = _sigm(g[:, :e] + gh_rz[:, :e])
            th = jnp.tanh(0.5 * (g[:, e:2 * e] + gh_rz[:, e:]))
            z = 0.5 * th + 0.5
            zc = 0.5 - 0.5 * th
            n = jnp.tanh(g[:, 2 * e:] + r * (gh_n + bhhn))
            return zc * n + z * h

        h = lax.fori_loop(0, chunk, step, h_ref[...], unroll=8)
        h_ref[...] = h

        @pl.when(i == n_grid - 1)
        def _final():
            logits = (jnp.dot(h, wh1_ref[...],
                              preferred_element_type=jnp.float32)
                      + bh1_ref[...])
            m = jnp.max(logits, axis=-1, keepdims=True)
            ex = jnp.exp(logits - m)
            probs_ref[...] = ex / jnp.sum(ex, axis=-1, keepdims=True)

    return pl.pallas_call(
        body,
        grid=(n_grid,),
        in_specs=[
            pl.BlockSpec((chunk * nb, e), lambda i: (i, 0)),
            pl.BlockSpec((chunk, nb, 1), lambda i: (i, 0, 0)),
            pl.BlockSpec((e, 3 * e), lambda i: (0, 0)),
            pl.BlockSpec((e, 3 * e), lambda i: (0, 0)),
            pl.BlockSpec((1, 3 * e), lambda i: (0, 0)),
            pl.BlockSpec((1, e), lambda i: (0, 0)),
            pl.BlockSpec((e, na), lambda i: (0, 0)),
            pl.BlockSpec((1, na), lambda i: (0, 0)),
        ],
        out_specs=pl.BlockSpec((nb, na), lambda i: (0, 0)),
        out_shape=jax.ShapeDtypeStruct((nb, na), jnp.float32),
        scratch_shapes=[
            pltpu.VMEM((chunk, nb, 3 * e), jnp.float32),
            pltpu.VMEM((nb, e), jnp.float32),
            pltpu.VMEM((1, nb, 1), jnp.float32),
        ],
        compiler_params=pltpu.CompilerParams(
            dimension_semantics=("arbitrary",),
        ),
    )(emb, tok2, wih_t, whh_t, b_sum2, bhh_n2, wh1_t, b_h12)


def kernel(utterance, global_idxes, d2e, W_ih, W_hh, b_ih, b_hh, W_h1, b_h1):
    nb, seq_len = utterance.shape
    e = W_hh.shape[1]
    na = W_h1.shape[0]

    toks_tm = utterance.T
    idx2 = toks_tm.reshape(-1, 128)
    emb = _sc_gather(d2e, idx2, nb * seq_len, e)
    

    b_sum = b_ih + jnp.concatenate([b_hh[:2 * e], jnp.zeros((e,), b_hh.dtype)])
    probs = _recurrence(
        emb, toks_tm.reshape(seq_len, nb, 1), W_ih.T, W_hh.T,
        b_sum.reshape(1, -1), b_hh[2 * e:].reshape(1, -1),
        W_h1.T, b_h1.reshape(1, -1),
        seq_len, nb, e, na, chunk=512,
    )

    skey = jax.random.key(1234)
    actions = jax.random.categorical(skey, jnp.log(probs + 1e-12), axis=-1)
    log_probs = jnp.log(
        jnp.take_along_axis(probs, actions[:, None], axis=1)[:, 0] + 1e-12)
    return actions, log_probs, probs

# --- scband reference (transcript-rebuilt; emitter-appended) ---
"""Pipeline reference for scband-agent-two-5394478923881 (READ-ONLY COPY).

The authoritative reference and input builder live on the scoring server;
editing this copy changes nothing except your own understanding.
"""

import jax, jax.numpy as jnp
import numpy as np

B, T = 16, 2048
VOCAB = 100000
E = 128
A = 16


def setup_inputs(seed: int = 0) -> dict:
    key = jax.random.key(seed)
    ks = jax.random.split(key, 10)
    utterance = jax.random.randint(ks[0], (B, T), 0, VOCAB + 1, dtype=jnp.int32)
    global_idxes = jnp.arange(B, dtype=jnp.int32)
    d2e = jax.random.normal(ks[1], (VOCAB + 1, E), dtype=jnp.float32)
    s = float(1.0 / np.sqrt(E))
    W_ih = jax.random.uniform(ks[2], (3 * E, E), minval=-s, maxval=s, dtype=jnp.float32)
    W_hh = jax.random.uniform(ks[3], (3 * E, E), minval=-s, maxval=s, dtype=jnp.float32)
    b_ih = jax.random.uniform(ks[4], (3 * E,), minval=-s, maxval=s, dtype=jnp.float32)
    b_hh = jax.random.uniform(ks[5], (3 * E,), minval=-s, maxval=s, dtype=jnp.float32)
    W_h1 = jax.random.uniform(ks[6], (A, E), minval=-s, maxval=s, dtype=jnp.float32)
    b_h1 = jax.random.uniform(ks[7], (A,), minval=-s, maxval=s, dtype=jnp.float32)
    return {"utterance": utterance, "global_idxes": global_idxes, "d2e": d2e,
            "W_ih": W_ih, "W_hh": W_hh, "b_ih": b_ih, "b_hh": b_hh,
            "W_h1": W_h1, "b_h1": b_h1}


def _gru_cell(x, h, W_ih, W_hh, b_ih, b_hh):
    gi = x @ W_ih.T + b_ih
    gh = h @ W_hh.T + b_hh
    i_r, i_z, i_n = jnp.split(gi, 3, axis=-1)
    h_r, h_z, h_n = jnp.split(gh, 3, axis=-1)
    r = jax.nn.sigmoid(i_r + h_r)
    z = jax.nn.sigmoid(i_z + h_z)
    n = jnp.tanh(i_n + r * h_n)
    return (1.0 - z) * n + z * h


def _forward(utterance, d2e, W_ih, W_hh, b_ih, b_hh, W_h1, b_h1):
    Bc = utterance.shape[0]
    Ec = W_hh.shape[1]
    state0 = jnp.zeros((Bc, Ec), dtype=jnp.float32)
    out0 = jnp.zeros((Bc, Ec), dtype=jnp.float32)
    alive0 = jnp.ones((Bc,), dtype=bool)
    toks = utterance.T  # [T, B]

    def step(carry, tok):
        state, out_state, alive = carry
        emb = jnp.take(d2e, tok, axis=0)  # embedding gather
        new_state = _gru_cell(emb, state, W_ih, W_hh, b_ih, b_hh)
        m = alive[:, None]
        # in torch, dead rows were sieved out; equivalent to freezing them here
        state = jnp.where(m, new_state, state)
        # output_state[global_idxes] = state happens BEFORE mark_dead,
        # so the step that consumes token==0 is still written
        out_state = jnp.where(m, new_state, out_state)
        alive = alive & (tok != 0)
        return (state, out_state, alive), None

    (_, out_state, _), _ = jax.lax.scan(step, (state0, out0, alive0), toks)
    logits = out_state @ W_h1.T + b_h1
    probs = jax.nn.softmax(logits, axis=-1)
    return logits, probs


def reference(utterance, global_idxes, d2e, W_ih, W_hh, b_ih, b_hh, W_h1, b_h1):
    logits, probs = _forward(utterance, d2e, W_ih, W_hh, b_ih, b_hh, W_h1, b_h1)
    # rl_common.draw_categorical_sample: multinomial sample + log-prob of action
    skey = jax.random.key(1234)
    actions = jax.random.categorical(skey, jnp.log(probs + 1e-12), axis=-1)
    log_probs = jnp.log(jnp.take_along_axis(probs, actions[:, None], axis=1)[:, 0] + 1e-12)
    return actions, log_probs, probs

if __name__ == "__main__":
    import jax
    _d = setup_inputs()
    print(jax.jit(kernel)(*tuple(_d.values())))

</pallas_src>

<mosaic_0001>
#map = affine_map<(d0, d1) -> (0, 0)>
module attributes {stable_mosaic.version = 14 : i64} {
  func.func @gather_kernel(%arg0: i32, %arg1: i32, %arg2: memref<100001x128xf32, #tpu.memory_space<hbm>>, %arg3: memref<256x128xi32, #tpu.memory_space<hbm>>, %arg4: memref<32768x128xf32, #tpu.memory_space<hbm>>, %arg5: memref<8x128xi32, #tpu.memory_space<vmem>>, %arg6: memref<128x128xf32, #tpu.memory_space<vmem>>, %arg7: memref<128x128xf32, #tpu.memory_space<vmem>>, %arg8: memref<!tpu.dma_semaphore, #tpu.memory_space<semaphore_mem>>, %arg9: memref<!tpu.dma_semaphore, #tpu.memory_space<semaphore_mem>>, %arg10: memref<!tpu.dma_semaphore, #tpu.memory_space<semaphore_mem>>, %arg11: memref<!tpu.dma_semaphore, #tpu.memory_space<semaphore_mem>>) attributes {dimension_semantics = [#tpu.dimension_semantics<core_parallel>, #tpu.dimension_semantics<subcore_parallel>], iteration_bounds = array<i64: 2, 16>, scalar_prefetch = 0 : i64, scratch_operands = 7 : i64, tpu.core_type = #tpu.core_type<sc_vector_subcore>, window_params = [{transform_indices = #map}, {transform_indices = #map}, {transform_indices = #map}]} {
    %mul3A = arith.constant 2 : i32
    %mul3A_0 = arith.muli %arg1, %mul3A : i32
    %add3A = arith.addi %mul3A_0, %arg0 : i32
    %mul3A_1 = arith.constant 1024 : i32
    %mul3A_2 = arith.muli %add3A, %mul3A_1 : i32
    %mul3A_3 = arith.constant 8 : i32
    %mul3A_4 = arith.muli %add3A, %mul3A_3 : i32
    "tpu.region"() ({
      %run_scoped3A = tpu.sem_alloc : memref<!tpu.dma_semaphore, #tpu.memory_space<semaphore_mem>>
      %dma_start3A_195 = arith.constant 0 : i32
      %dma_start3A_196 = tpu.memref_slice %arg3[%mul3A_4, %dma_start3A_195] : memref<256x128xi32, #tpu.memory_space<hbm>> -> memref<8x128xi32, #tpu.memory_space<hbm>>
      %dma_start3A_197 = arith.constant 0 : i32
      %dma_start3A_198 = tpu.memref_slice %arg3[%mul3A_4, %dma_start3A_197] : memref<256x128xi32, #tpu.memory_space<hbm>> -> memref<8x128xi32, #tpu.memory_space<hbm>>
      tpu.enqueue_dma source(%dma_start3A_198 : memref<8x128xi32, #tpu.memory_space<hbm>>) target(%arg5 : memref<8x128xi32, #tpu.memory_space<vmem>>) target_semaphore(%run_scoped3A : memref<!tpu.dma_semaphore, #tpu.memory_space<semaphore_mem>>)
      %dma_wait3A_199 = arith.constant 0 : i32
      %dma_wait3A_200 = tpu.memref_slice %arg3[%mul3A_4, %dma_wait3A_199] : memref<256x128xi32, #tpu.memory_space<hbm>> -> memref<8x128xi32, #tpu.memory_space<hbm>>
      %dma_wait3A_201 = arith.constant 0 : i32
      %dma_wait3A_202 = tpu.memref_slice %arg3[%mul3A_4, %dma_wait3A_201] : memref<256x128xi32, #tpu.memory_space<hbm>> -> memref<8x128xi32, #tpu.memory_space<hbm>>
      tpu.wait_dma2 semaphore(%run_scoped3A : memref<!tpu.dma_semaphore, #tpu.memory_space<semaphore_mem>>) src(%dma_wait3A_202 : memref<8x128xi32, #tpu.memory_space<hbm>>) dst(%arg5 : memref<8x128xi32, #tpu.memory_space<vmem>>)
      tpu.yield
    }) : () -> ()
    %dma_start3A = arith.constant 0 : i32
    %dma_start3A_5 = arith.constant 0 : i32
    %dma_start3A_6 = tpu.memref_slice %arg5[%dma_start3A, %dma_start3A_5] : memref<8x128xi32, #tpu.memory_space<vmem>> -> memref<1x128xi32, #tpu.memory_space<vmem>>
    %dma_start3A_7 = tpu.memref_squeeze %dma_start3A_6 : memref<1x128xi32, #tpu.memory_space<vmem>> -> memref<128xi32, #tpu.memory_space<vmem>>
    %dma_start3A_8 = arith.constant 0 : i32
    %dma_start3A_9 = arith.constant 0 : i32
    %dma_start3A_10 = tpu.memref_slice %arg2[%dma_start3A_8, %dma_start3A_9] : memref<100001x128xf32, #tpu.memory_space<hbm>> -> memref<100001x128xf32, #tpu.memory_space<hbm>>
    tpu.enqueue_indirect_dma source(%dma_start3A_10 : memref<100001x128xf32, #tpu.memory_space<hbm>>) target(%arg6 : memref<128x128xf32, #tpu.memory_space<vmem>>) offsets(%dma_start3A_7 : memref<128xi32, #tpu.memory_space<vmem>>) semaphore(%arg8 : memref<!tpu.dma_semaphore, #tpu.memory_space<semaphore_mem>>)
    %dma_wait3A = arith.constant 0 : i32
    %dma_wait3A_11 = arith.constant 0 : i32
    %dma_wait3A_12 = tpu.memref_slice %arg5[%dma_wait3A, %dma_wait3A_11] : memref<8x128xi32, #tpu.memory_space<vmem>> -> memref<1x128xi32, #tpu.memory_space<vmem>>
    %dma_wait3A_13 = tpu.memref_squeeze %dma_wait3A_12 : memref<1x128xi32, #tpu.memory_space<vmem>> -> memref<128xi32, #tpu.memory_space<vmem>>
    %dma_wait3A_14 = arith.constant 0 : i32
    %dma_wait3A_15 = arith.constant 0 : i32
    %dma_wait3A_16 = tpu.memref_slice %arg2[%dma_wait3A_14, %dma_wait3A_15] : memref<100001x128xf32, #tpu.memory_space<hbm>> -> memref<100001x128xf32, #tpu.memory_space<hbm>>
    tpu.wait_indirect_dma semaphore(%arg8 : memref<!tpu.dma_semaphore, #tpu.memory_space<semaphore_mem>>) src(%dma_wait3A_16 : memref<100001x128xf32, #tpu.memory_space<hbm>>) dst(%arg6 : memref<128x128xf32, #tpu.memory_space<vmem>>)
    %dma_start3A_17 = arith.constant 1 : i32
    %dma_start3A_18 = arith.constant 0 : i32
    %dma_start3A_19 = tpu.memref_slice %arg5[%dma_start3A_17, %dma_start3A_18] : memref<8x128xi32, #tpu.memory_space<vmem>> -> memref<1x128xi32, #tpu.memory_space<vmem>>
    %dma_start3A_20 = tpu.memref_squeeze %dma_start3A_19 : memref<1x128xi32, #tpu.memory_space<vmem>> -> memref<128xi32, #tpu.memory_space<vmem>>
    %dma_start3A_21 = arith.constant 0 : i32
    %dma_start3A_22 = arith.constant 0 : i32
    %dma_start3A_23 = tpu.memref_slice %arg2[%dma_start3A_21, %dma_start3A_22] : memref<100001x128xf32, #tpu.memory_space<hbm>> -> memref<100001x128xf32, #tpu.memory_space<hbm>>
    tpu.enqueue_indirect_dma source(%dma_start3A_23 : memref<100001x128xf32, #tpu.memory_space<hbm>>) target(%arg7 : memref<128x128xf32, #tpu.memory_space<vmem>>) offsets(%dma_start3A_20 : memref<128xi32, #tpu.memory_space<vmem>>) semaphore(%arg9 : memref<!tpu.dma_semaphore, #tpu.memory_space<semaphore_mem>>)
    %add3A_24 = arith.constant 0 : i32
    %add3A_25 = arith.addi %mul3A_2, %add3A_24 : i32
    %dma_start3A_26 = arith.constant 0 : i32
    %dma_start3A_27 = tpu.memref_slice %arg4[%add3A_25, %dma_start3A_26] : memref<32768x128xf32, #tpu.memory_space<hbm>> -> memref<128x128xf32, #tpu.memory_space<hbm>>
    %dma_start3A_28 = arith.constant 0 : i32
    %dma_start3A_29 = tpu.memref_slice %arg4[%add3A_25, %dma_start3A_28] : memref<32768x128xf32, #tpu.memory_space<hbm>> -> memref<128x128xf32, #tpu.memory_space<hbm>>
    tpu.enqueue_dma source(%arg6 : memref<128x128xf32, #tpu.memory_space<vmem>>) target(%dma_start3A_29 : memref<128x128xf32, #tpu.memory_space<hbm>>) target_semaphore(%arg10 : memref<!tpu.dma_semaphore, #tpu.memory_space<semaphore_mem>>)
    %dma_wait3A_30 = arith.constant 1 : i32
    %dma_wait3A_31 = arith.constant 0 : i32
    %dma_wait3A_32 = tpu.memref_slice %arg5[%dma_wait3A_30, %dma_wait3A_31] : memref<8x128xi32, #tpu.memory_space<vmem>> -> memref<1x128xi32, #tpu.memory_space<vmem>>
    %dma_wait3A_33 = tpu.memref_squeeze %dma_wait3A_32 : memref<1x128xi32, #tpu.memory_space<vmem>> -> memref<128xi32, #tpu.memory_space<vmem>>
    %dma_wait3A_34 = arith.constant 0 : i32
    %dma_wait3A_35 = arith.constant 0 : i32
    %dma_wait3A_36 = tpu.memref_slice %arg2[%dma_wait3A_34, %dma_wait3A_35] : memref<100001x128xf32, #tpu.memory_space<hbm>> -> memref<100001x128xf32, #tpu.memory_space<hbm>>
    tpu.wait_indirect_dma semaphore(%arg9 : memref<!tpu.dma_semaphore, #tpu.memory_space<semaphore_mem>>) src(%dma_wait3A_36 : memref<100001x128xf32, #tpu.memory_space<hbm>>) dst(%arg7 : memref<128x128xf32, #tpu.memory_space<vmem>>)
    %dma_wait3A_37 = arith.constant 0 : i32
    %dma_wait3A_38 = tpu.memref_slice %arg4[%add3A_25, %dma_wait3A_37] : memref<32768x128xf32, #tpu.memory_space<hbm>> -> memref<128x128xf32, #tpu.memory_space<hbm>>
    %dma_wait3A_39 = arith.constant 0 : i32
    %dma_wait3A_40 = tpu.memref_slice %arg4[%add3A_25, %dma_wait3A_39] : memref<32768x128xf32, #tpu.memory_space<hbm>> -> memref<128x128xf32, #tpu.memory_space<hbm>>
    tpu.wait_dma2 semaphore(%arg10 : memref<!tpu.dma_semaphore, #tpu.memory_space<semaphore_mem>>) src(%arg6 : memref<128x128xf32, #tpu.memory_space<vmem>>) dst(%dma_wait3A_40 : memref<128x128xf32, #tpu.memory_space<hbm>>)
    %dma_start3A_41 = arith.constant 2 : i32
    %dma_start3A_42 = arith.constant 0 : i32
    %dma_start3A_43 = tpu.memref_slice %arg5[%dma_start3A_41, %dma_start3A_42] : memref<8x128xi32, #tpu.memory_space<vmem>> -> memref<1x128xi32, #tpu.memory_space<vmem>>
    %dma_start3A_44 = tpu.memref_squeeze %dma_start3A_43 : memref<1x128xi32, #tpu.memory_space<vmem>> -> memref<128xi32, #tpu.memory_space<vmem>>
    %dma_start3A_45 = arith.constant 0 : i32
    %dma_start3A_46 = arith.constant 0 : i32
    %dma_start3A_47 = tpu.memref_slice %arg2[%dma_start3A_45, %dma_start3A_46] : memref<100001x128xf32, #tpu.memory_space<hbm>> -> memref<100001x128xf32, #tpu.memory_space<hbm>>
    tpu.enqueue_indirect_dma source(%dma_start3A_47 : memref<100001x128xf32, #tpu.memory_space<hbm>>) target(%arg6 : memref<128x128xf32, #tpu.memory_space<vmem>>) offsets(%dma_start3A_44 : memref<128xi32, #tpu.memory_space<vmem>>) semaphore(%arg8 : memref<!tpu.dma_semaphore, #tpu.memory_space<semaphore_mem>>)
    %add3A_48 = arith.constant 128 : i32
    %add3A_49 = arith.addi %mul3A_2, %add3A_48 : i32
    %dma_start3A_50 = arith.constant 0 : i32
    %dma_start3A_51 = tpu.memref_slice %arg4[%add3A_49, %dma_start3A_50] : memref<32768x128xf32, #tpu.memory_space<hbm>> -> memref<128x128xf32, #tpu.memory_space<hbm>>
    %dma_start3A_52 = arith.constant 0 : i32
    %dma_start3A_53 = tpu.memref_slice %arg4[%add3A_49, %dma_start3A_52] : memref<32768x128xf32, #tpu.memory_space<hbm>> -> memref<128x128xf32, #tpu.memory_space<hbm>>
    tpu.enqueue_dma source(%arg7 : memref<128x128xf32, #tpu.memory_space<vmem>>) target(%dma_start3A_53 : memref<128x128xf32, #tpu.memory_space<hbm>>) target_semaphore(%arg11 : memref<!tpu.dma_semaphore, #tpu.memory_space<semaphore_mem>>)
    %dma_wait3A_54 = arith.constant 2 : i32
    %dma_wait3A_55 = arith.constant 0 : i32
    %dma_wait3A_56 = tpu.memref_slice %arg5[%dma_wait3A_54, %dma_wait3A_55] : memref<8x128xi32, #tpu.memory_space<vmem>> -> memref<1x128xi32, #tpu.memory_space<vmem>>
    %dma_wait3A_57 = tpu.memref_squeeze %dma_wait3A_56 : memref<1x128xi32, #tpu.memory_space<vmem>> -> memref<128xi32, #tpu.memory_space<vmem>>
    %dma_wait3A_58 = arith.constant 0 : i32
    %dma_wait3A_59 = arith.constant 0 : i32
    %dma_wait3A_60 = tpu.memref_slice %arg2[%dma_wait3A_58, %dma_wait3A_59] : memref<100001x128xf32, #tpu.memory_space<hbm>> -> memref<100001x128xf32, #tpu.memory_space<hbm>>
    tpu.wait_indirect_dma semaphore(%arg8 : memref<!tpu.dma_semaphore, #tpu.memory_space<semaphore_mem>>) src(%dma_wait3A_60 : memref<100001x128xf32, #tpu.memory_space<hbm>>) dst(%arg6 : memref<128x128xf32, #tpu.memory_space<vmem>>)
    %dma_wait3A_61 = arith.constant 0 : i32
    %dma_wait3A_62 = tpu.memref_slice %arg4[%add3A_49, %dma_wait3A_61] : memref<32768x128xf32, #tpu.memory_space<hbm>> -> memref<128x128xf32, #tpu.memory_space<hbm>>
    %dma_wait3A_63 = arith.constant 0 : i32
    %dma_wait3A_64 = tpu.memref_slice %arg4[%add3A_49, %dma_wait3A_63] : memref<32768x128xf32, #tpu.memory_space<hbm>> -> memref<128x128xf32, #tpu.memory_space<hbm>>
    tpu.wait_dma2 semaphore(%arg11 : memref<!tpu.dma_semaphore, #tpu.memory_space<semaphore_mem>>) src(%arg7 : memref<128x128xf32, #tpu.memory_space<vmem>>) dst(%dma_wait3A_64 : memref<128x128xf32, #tpu.memory_space<hbm>>)
    %dma_start3A_65 = arith.constant 3 : i32
    %dma_start3A_66 = arith.constant 0 : i32
    %dma_start3A_67 = tpu.memref_slice %arg5[%dma_start3A_65, %dma_start3A_66] : memref<8x128xi32, #tpu.memory_space<vmem>> -> memref<1x128xi32, #tpu.memory_space<vmem>>
    %dma_start3A_68 = tpu.memref_squeeze %dma_start3A_67 : memref<1x128xi32, #tpu.memory_space<vmem>> -> memref<128xi32, #tpu.memory_space<vmem>>
    %dma_start3A_69 = arith.constant 0 : i32
    %dma_start3A_70 = arith.constant 0 : i32
    %dma_start3A_71 = tpu.memref_slice %arg2[%dma_start3A_69, %dma_start3A_70] : memref<100001x128xf32, #tpu.memory_space<hbm>> -> memref<100001x128xf32, #tpu.memory_space<hbm>>
    tpu.enqueue_indirect_dma source(%dma_start3A_71 : memref<100001x128xf32, #tpu.memory_space<hbm>>) target(%arg7 : memref<128x128xf32, #tpu.memory_space<vmem>>) offsets(%dma_start3A_68 : memref<128xi32, #tpu.memory_space<vmem>>) semaphore(%arg9 : memref<!tpu.dma_semaphore, #tpu.memory_space<semaphore_mem>>)
    %add3A_72 = arith.constant 256 : i32
    %add3A_73 = arith.addi %mul3A_2, %add3A_72 : i32
    %dma_start3A_74 = arith.constant 0 : i32
    %dma_start3A_75 = tpu.memref_slice %arg4[%add3A_73, %dma_start3A_74] : memref<32768x128xf32, #tpu.memory_space<hbm>> -> memref<128x128xf32, #tpu.memory_space<hbm>>
    %dma_start3A_76 = arith.constant 0 : i32
    %dma_start3A_77 = tpu.memref_slice %arg4[%add3A_73, %dma_start3A_76] : memref<32768x128xf32, #tpu.memory_space<hbm>> -> memref<128x128xf32, #tpu.memory_space<hbm>>
    tpu.enqueue_dma source(%arg6 : memref<128x128xf32, #tpu.memory_space<vmem>>) target(%dma_start3A_77 : memref<128x128xf32, #tpu.memory_space<hbm>>) target_semaphore(%arg10 : memref<!tpu.dma_semaphore, #tpu.memory_space<semaphore_mem>>)
    %dma_wait3A_78 = arith.constant 3 : i32
    %dma_wait3A_79 = arith.constant 0 : i32
    %dma_wait3A_80 = tpu.memref_slice %arg5[%dma_wait3A_78, %dma_wait3A_79] : memref<8x128xi32, #tpu.memory_space<vmem>> -> memref<1x128xi32, #tpu.memory_space<vmem>>
    %dma_wait3A_81 = tpu.memref_squeeze %dma_wait3A_80 : memref<1x128xi32, #tpu.memory_space<vmem>> -> memref<128xi32, #tpu.memory_space<vmem>>
    %dma_wait3A_82 = arith.constant 0 : i32
    %dma_wait3A_83 = arith.constant 0 : i32
    %dma_wait3A_84 = tpu.memref_slice %arg2[%dma_wait3A_82, %dma_wait3A_83] : memref<100001x128xf32, #tpu.memory_space<hbm>> -> memref<100001x128xf32, #tpu.memory_space<hbm>>
    tpu.wait_indirect_dma semaphore(%arg9 : memref<!tpu.dma_semaphore, #tpu.memory_space<semaphore_mem>>) src(%dma_wait3A_84 : memref<100001x128xf32, #tpu.memory_space<hbm>>) dst(%arg7 : memref<128x128xf32, #tpu.memory_space<vmem>>)
    %dma_wait3A_85 = arith.constant 0 : i32
    %dma_wait3A_86 = tpu.memref_slice %arg4[%add3A_73, %dma_wait3A_85] : memref<32768x128xf32, #tpu.memory_space<hbm>> -> memref<128x128xf32, #tpu.memory_space<hbm>>
    %dma_wait3A_87 = arith.constant 0 : i32
    %dma_wait3A_88 = tpu.memref_slice %arg4[%add3A_73, %dma_wait3A_87] : memref<32768x128xf32, #tpu.memory_space<hbm>> -> memref<128x128xf32, #tpu.memory_space<hbm>>
    tpu.wait_dma2 semaphore(%arg10 : memref<!tpu.dma_semaphore, #tpu.memory_space<semaphore_mem>>) src(%arg6 : memref<128x128xf32, #tpu.memory_space<vmem>>) dst(%dma_wait3A_88 : memref<128x128xf32, #tpu.memory_space<hbm>>)
    %dma_start3A_89 = arith.constant 4 : i32
    %dma_start3A_90 = arith.constant 0 : i32
    %dma_start3A_91 = tpu.memref_slice %arg5[%dma_start3A_89, %dma_start3A_90] : memref<8x128xi32, #tpu.memory_space<vmem>> -> memref<1x128xi32, #tpu.memory_space<vmem>>
    %dma_start3A_92 = tpu.memref_squeeze %dma_start3A_91 : memref<1x128xi32, #tpu.memory_space<vmem>> -> memref<128xi32, #tpu.memory_space<vmem>>
    %dma_start3A_93 = arith.constant 0 : i32
    %dma_start3A_94 = arith.constant 0 : i32
    %dma_start3A_95 = tpu.memref_slice %arg2[%dma_start3A_93, %dma_start3A_94] : memref<100001x128xf32, #tpu.memory_space<hbm>> -> memref<100001x128xf32, #tpu.memory_space<hbm>>
    tpu.enqueue_indirect_dma source(%dma_start3A_95 : memref<100001x128xf32, #tpu.memory_space<hbm>>) target(%arg6 : memref<128x128xf32, #tpu.memory_space<vmem>>) offsets(%dma_start3A_92 : memref<128xi32, #tpu.memory_space<vmem>>) semaphore(%arg8 : memref<!tpu.dma_semaphore, #tpu.memory_space<semaphore_mem>>)
    %add3A_96 = arith.constant 384 : i32
    %add3A_97 = arith.addi %mul3A_2, %add3A_96 : i32
    %dma_start3A_98 = arith.constant 0 : i32
    %dma_start3A_99 = tpu.memref_slice %arg4[%add3A_97, %dma_start3A_98] : memref<32768x128xf32, #tpu.memory_space<hbm>> -> memref<128x128xf32, #tpu.memory_space<hbm>>
    %dma_start3A_100 = arith.constant 0 : i32
    %dma_start3A_101 = tpu.memref_slice %arg4[%add3A_97, %dma_start3A_100] : memref<32768x128xf32, #tpu.memory_space<hbm>> -> memref<128x128xf32, #tpu.memory_space<hbm>>
    tpu.enqueue_dma source(%arg7 : memref<128x128xf32, #tpu.memory_space<vmem>>) target(%dma_start3A_101 : memref<128x128xf32, #tpu.memory_space<hbm>>) target_semaphore(%arg11 : memref<!tpu.dma_semaphore, #tpu.memory_space<semaphore_mem>>)
    %dma_wait3A_102 = arith.constant 4 : i32
    %dma_wait3A_103 = arith.constant 0 : i32
    %dma_wait3A_104 = tpu.memref_slice %arg5[%dma_wait3A_102, %dma_wait3A_103] : memref<8x128xi32, #tpu.memory_space<vmem>> -> memref<1x128xi32, #tpu.memory_space<vmem>>
    %dma_wait3A_105 = tpu.memref_squeeze %dma_wait3A_104 : memref<1x128xi32, #tpu.memory_space<vmem>> -> memref<128xi32, #tpu.memory_space<vmem>>
    %dma_wait3A_106 = arith.constant 0 : i32
    %dma_wait3A_107 = arith.constant 0 : i32
    %dma_wait3A_108 = tpu.memref_slice %arg2[%dma_wait3A_106, %dma_wait3A_107] : memref<100001x128xf32, #tpu.memory_space<hbm>> -> memref<100001x128xf32, #tpu.memory_space<hbm>>
    tpu.wait_indirect_dma semaphore(%arg8 : memref<!tpu.dma_semaphore, #tpu.memory_space<semaphore_mem>>) src(%dma_wait3A_108 : memref<100001x128xf32, #tpu.memory_space<hbm>>) dst(%arg6 : memref<128x128xf32, #tpu.memory_space<vmem>>)
    %dma_wait3A_109 = arith.constant 0 : i32
    %dma_wait3A_110 = tpu.memref_slice %arg4[%add3A_97, %dma_wait3A_109] : memref<32768x128xf32, #tpu.memory_space<hbm>> -> memref<128x128xf32, #tpu.memory_space<hbm>>
    %dma_wait3A_111 = arith.constant 0 : i32
    %dma_wait3A_112 = tpu.memref_slice %arg4[%add3A_97, %dma_wait3A_111] : memref<32768x128xf32, #tpu.memory_space<hbm>> -> memref<128x128xf32, #tpu.memory_space<hbm>>
    tpu.wait_dma2 semaphore(%arg11 : memref<!tpu.dma_semaphore, #tpu.memory_space<semaphore_mem>>) src(%arg7 : memref<128x128xf32, #tpu.memory_space<vmem>>) dst(%dma_wait3A_112 : memref<128x128xf32, #tpu.memory_space<hbm>>)
    %dma_start3A_113 = arith.constant 5 : i32
    %dma_start3A_114 = arith.constant 0 : i32
    %dma_start3A_115 = tpu.memref_slice %arg5[%dma_start3A_113, %dma_start3A_114] : memref<8x128xi32, #tpu.memory_space<vmem>> -> memref<1x128xi32, #tpu.memory_space<vmem>>
    %dma_start3A_116 = tpu.memref_squeeze %dma_start3A_115 : memref<1x128xi32, #tpu.memory_space<vmem>> -> memref<128xi32, #tpu.memory_space<vmem>>
    %dma_start3A_117 = arith.constant 0 : i32
    %dma_start3A_118 = arith.constant 0 : i32
    %dma_start3A_119 = tpu.memref_slice %arg2[%dma_start3A_117, %dma_start3A_118] : memref<100001x128xf32, #tpu.memory_space<hbm>> -> memref<100001x128xf32, #tpu.memory_space<hbm>>
    tpu.enqueue_indirect_dma source(%dma_start3A_119 : memref<100001x128xf32, #tpu.memory_space<hbm>>) target(%arg7 : memref<128x128xf32, #tpu.memory_space<vmem>>) offsets(%dma_start3A_116 : memref<128xi32, #tpu.memory_space<vmem>>) semaphore(%arg9 : memref<!tpu.dma_semaphore, #tpu.memory_space<semaphore_mem>>)
    %add3A_120 = arith.constant 512 : i32
    %add3A_121 = arith.addi %mul3A_2, %add3A_120 : i32
    %dma_start3A_122 = arith.constant 0 : i32
    %dma_start3A_123 = tpu.memref_slice %arg4[%add3A_121, %dma_start3A_122] : memref<32768x128xf32, #tpu.memory_space<hbm>> -> memref<128x128xf32, #tpu.memory_space<hbm>>
    %dma_start3A_124 = arith.constant 0 : i32
    %dma_start3A_125 = tpu.memref_slice %arg4[%add3A_121, %dma_start3A_124] : memref<32768x128xf32, #tpu.memory_space<hbm>> -> memref<128x128xf32, #tpu.memory_space<hbm>>
    tpu.enqueue_dma source(%arg6 : memref<128x128xf32, #tpu.memory_space<vmem>>) target(%dma_start3A_125 : memref<128x128xf32, #tpu.memory_space<hbm>>) target_semaphore(%arg10 : memref<!tpu.dma_semaphore, #tpu.memory_space<semaphore_mem>>)
    %dma_wait3A_126 = arith.constant 5 : i32
    %dma_wait3A_127 = arith.constant 0 : i32
    %dma_wait3A_128 = tpu.memref_slice %arg5[%dma_wait3A_126, %dma_wait3A_127] : memref<8x128xi32, #tpu.memory_space<vmem>> -> memref<1x128xi32, #tpu.memory_space<vmem>>
    %dma_wait3A_129 = tpu.memref_squeeze %dma_wait3A_128 : memref<1x128xi32, #tpu.memory_space<vmem>> -> memref<128xi32, #tpu.memory_space<vmem>>
    %dma_wait3A_130 = arith.constant 0 : i32
    %dma_wait3A_131 = arith.constant 0 : i32
    %dma_wait3A_132 = tpu.memref_slice %arg2[%dma_wait3A_130, %dma_wait3A_131] : memref<100001x128xf32, #tpu.memory_space<hbm>> -> memref<100001x128xf32, #tpu.memory_space<hbm>>
    tpu.wait_indirect_dma semaphore(%arg9 : memref<!tpu.dma_semaphore, #tpu.memory_space<semaphore_mem>>) src(%dma_wait3A_132 : memref<100001x128xf32, #tpu.memory_space<hbm>>) dst(%arg7 : memref<128x128xf32, #tpu.memory_space<vmem>>)
    %dma_wait3A_133 = arith.constant 0 : i32
    %dma_wait3A_134 = tpu.memref_slice %arg4[%add3A_121, %dma_wait3A_133] : memref<32768x128xf32, #tpu.memory_space<hbm>> -> memref<128x128xf32, #tpu.memory_space<hbm>>
    %dma_wait3A_135 = arith.constant 0 : i32
    %dma_wait3A_136 = tpu.memref_slice %arg4[%add3A_121, %dma_wait3A_135] : memref<32768x128xf32, #tpu.memory_space<hbm>> -> memref<128x128xf32, #tpu.memory_space<hbm>>
    tpu.wait_dma2 semaphore(%arg10 : memref<!tpu.dma_semaphore, #tpu.memory_space<semaphore_mem>>) src(%arg6 : memref<128x128xf32, #tpu.memory_space<vmem>>) dst(%dma_wait3A_136 : memref<128x128xf32, #tpu.memory_space<hbm>>)
    %dma_start3A_137 = arith.constant 6 : i32
    %dma_start3A_138 = arith.constant 0 : i32
    %dma_start3A_139 = tpu.memref_slice %arg5[%dma_start3A_137, %dma_start3A_138] : memref<8x128xi32, #tpu.memory_space<vmem>> -> memref<1x128xi32, #tpu.memory_space<vmem>>
    %dma_start3A_140 = tpu.memref_squeeze %dma_start3A_139 : memref<1x128xi32, #tpu.memory_space<vmem>> -> memref<128xi32, #tpu.memory_space<vmem>>
    %dma_start3A_141 = arith.constant 0 : i32
    %dma_start3A_142 = arith.constant 0 : i32
    %dma_start3A_143 = tpu.memref_slice %arg2[%dma_start3A_141, %dma_start3A_142] : memref<100001x128xf32, #tpu.memory_space<hbm>> -> memref<100001x128xf32, #tpu.memory_space<hbm>>
    tpu.enqueue_indirect_dma source(%dma_start3A_143 : memref<100001x128xf32, #tpu.memory_space<hbm>>) target(%arg6 : memref<128x128xf32, #tpu.memory_space<vmem>>) offsets(%dma_start3A_140 : memref<128xi32, #tpu.memory_space<vmem>>) semaphore(%arg8 : memref<!tpu.dma_semaphore, #tpu.memory_space<semaphore_mem>>)
    %add3A_144 = arith.constant 640 : i32
    %add3A_145 = arith.addi %mul3A_2, %add3A_144 : i32
    %dma_start3A_146 = arith.constant 0 : i32
    %dma_start3A_147 = tpu.memref_slice %arg4[%add3A_145, %dma_start3A_146] : memref<32768x128xf32, #tpu.memory_space<hbm>> -> memref<128x128xf32, #tpu.memory_space<hbm>>
    %dma_start3A_148 = arith.constant 0 : i32
    %dma_start3A_149 = tpu.memref_slice %arg4[%add3A_145, %dma_start3A_148] : memref<32768x128xf32, #tpu.memory_space<hbm>> -> memref<128x128xf32, #tpu.memory_space<hbm>>
    tpu.enqueue_dma source(%arg7 : memref<128x128xf32, #tpu.memory_space<vmem>>) target(%dma_start3A_149 : memref<128x128xf32, #tpu.memory_space<hbm>>) target_semaphore(%arg11 : memref<!tpu.dma_semaphore, #tpu.memory_space<semaphore_mem>>)
    %dma_wait3A_150 = arith.constant 6 : i32
    %dma_wait3A_151 = arith.constant 0 : i32
    %dma_wait3A_152 = tpu.memref_slice %arg5[%dma_wait3A_150, %dma_wait3A_151] : memref<8x128xi32, #tpu.memory_space<vmem>> -> memref<1x128xi32, #tpu.memory_space<vmem>>
    %dma_wait3A_153 = tpu.memref_squeeze %dma_wait3A_152 : memref<1x128xi32, #tpu.memory_space<vmem>> -> memref<128xi32, #tpu.memory_space<vmem>>
    %dma_wait3A_154 = arith.constant 0 : i32
    %dma_wait3A_155 = arith.constant 0 : i32
    %dma_wait3A_156 = tpu.memref_slice %arg2[%dma_wait3A_154, %dma_wait3A_155] : memref<100001x128xf32, #tpu.memory_space<hbm>> -> memref<100001x128xf32, #tpu.memory_space<hbm>>
    tpu.wait_indirect_dma semaphore(%arg8 : memref<!tpu.dma_semaphore, #tpu.memory_space<semaphore_mem>>) src(%dma_wait3A_156 : memref<100001x128xf32, #tpu.memory_space<hbm>>) dst(%arg6 : memref<128x128xf32, #tpu.memory_space<vmem>>)
    %dma_wait3A_157 = arith.constant 0 : i32
    %dma_wait3A_158 = tpu.memref_slice %arg4[%add3A_145, %dma_wait3A_157] : memref<32768x128xf32, #tpu.memory_space<hbm>> -> memref<128x128xf32, #tpu.memory_space<hbm>>
    %dma_wait3A_159 = arith.constant 0 : i32
    %dma_wait3A_160 = tpu.memref_slice %arg4[%add3A_145, %dma_wait3A_159] : memref<32768x128xf32, #tpu.memory_space<hbm>> -> memref<128x128xf32, #tpu.memory_space<hbm>>
    tpu.wait_dma2 semaphore(%arg11 : memref<!tpu.dma_semaphore, #tpu.memory_space<semaphore_mem>>) src(%arg7 : memref<128x128xf32, #tpu.memory_space<vmem>>) dst(%dma_wait3A_160 : memref<128x128xf32, #tpu.memory_space<hbm>>)
    %dma_start3A_161 = arith.constant 7 : i32
    %dma_start3A_162 = arith.constant 0 : i32
    %dma_start3A_163 = tpu.memref_slice %arg5[%dma_start3A_161, %dma_start3A_162] : memref<8x128xi32, #tpu.memory_space<vmem>> -> memref<1x128xi32, #tpu.memory_space<vmem>>
    %dma_start3A_164 = tpu.memref_squeeze %dma_start3A_163 : memref<1x128xi32, #tpu.memory_space<vmem>> -> memref<128xi32, #tpu.memory_space<vmem>>
    %dma_start3A_165 = arith.constant 0 : i32
    %dma_start3A_166 = arith.constant 0 : i32
    %dma_start3A_167 = tpu.memref_slice %arg2[%dma_start3A_165, %dma_start3A_166] : memref<100001x128xf32, #tpu.memory_space<hbm>> -> memref<100001x128xf32, #tpu.memory_space<hbm>>
    tpu.enqueue_indirect_dma source(%dma_start3A_167 : memref<100001x128xf32, #tpu.memory_space<hbm>>) target(%arg7 : memref<128x128xf32, #tpu.memory_space<vmem>>) offsets(%dma_start3A_164 : memref<128xi32, #tpu.memory_space<vmem>>) semaphore(%arg9 : memref<!tpu.dma_semaphore, #tpu.memory_space<semaphore_mem>>)
    %add3A_168 = arith.constant 768 : i32
    %add3A_169 = arith.addi %mul3A_2, %add3A_168 : i32
    %dma_start3A_170 = arith.constant 0 : i32
    %dma_start3A_171 = tpu.memref_slice %arg4[%add3A_169, %dma_start3A_170] : memref<32768x128xf32, #tpu.memory_space<hbm>> -> memref<128x128xf32, #tpu.memory_space<hbm>>
    %dma_start3A_172 = arith.constant 0 : i32
    %dma_start3A_173 = tpu.memref_slice %arg4[%add3A_169, %dma_start3A_172] : memref<32768x128xf32, #tpu.memory_space<hbm>> -> memref<128x128xf32, #tpu.memory_space<hbm>>
    tpu.enqueue_dma source(%arg6 : memref<128x128xf32, #tpu.memory_space<vmem>>) target(%dma_start3A_173 : memref<128x128xf32, #tpu.memory_space<hbm>>) target_semaphore(%arg10 : memref<!tpu.dma_semaphore, #tpu.memory_space<semaphore_mem>>)
    %dma_wait3A_174 = arith.constant 7 : i32
    %dma_wait3A_175 = arith.constant 0 : i32
    %dma_wait3A_176 = tpu.memref_slice %arg5[%dma_wait3A_174, %dma_wait3A_175] : memref<8x128xi32, #tpu.memory_space<vmem>> -> memref<1x128xi32, #tpu.memory_space<vmem>>
    %dma_wait3A_177 = tpu.memref_squeeze %dma_wait3A_176 : memref<1x128xi32, #tpu.memory_space<vmem>> -> memref<128xi32, #tpu.memory_space<vmem>>
    %dma_wait3A_178 = arith.constant 0 : i32
    %dma_wait3A_179 = arith.constant 0 : i32
    %dma_wait3A_180 = tpu.memref_slice %arg2[%dma_wait3A_178, %dma_wait3A_179] : memref<100001x128xf32, #tpu.memory_space<hbm>> -> memref<100001x128xf32, #tpu.memory_space<hbm>>
    tpu.wait_indirect_dma semaphore(%arg9 : memref<!tpu.dma_semaphore, #tpu.memory_space<semaphore_mem>>) src(%dma_wait3A_180 : memref<100001x128xf32, #tpu.memory_space<hbm>>) dst(%arg7 : memref<128x128xf32, #tpu.memory_space<vmem>>)
    %add3A_181 = arith.constant 896 : i32
    %add3A_182 = arith.addi %mul3A_2, %add3A_181 : i32
    %dma_start3A_183 = arith.constant 0 : i32
    %dma_start3A_184 = tpu.memref_slice %arg4[%add3A_182, %dma_start3A_183] : memref<32768x128xf32, #tpu.memory_space<hbm>> -> memref<128x128xf32, #tpu.memory_space<hbm>>
    %dma_start3A_185 = arith.constant 0 : i32
    %dma_start3A_186 = tpu.memref_slice %arg4[%add3A_182, %dma_start3A_185] : memref<32768x128xf32, #tpu.memory_space<hbm>> -> memref<128x128xf32, #tpu.memory_space<hbm>>
    tpu.enqueue_dma source(%arg7 : memref<128x128xf32, #tpu.memory_space<vmem>>) target(%dma_start3A_186 : memref<128x128xf32, #tpu.memory_space<hbm>>) target_semaphore(%arg11 : memref<!tpu.dma_semaphore, #tpu.memory_space<semaphore_mem>>)
    %dma_wait3A_187 = arith.constant 0 : i32
    %dma_wait3A_188 = tpu.memref_slice %arg4[%add3A_169, %dma_wait3A_187] : memref<32768x128xf32, #tpu.memory_space<hbm>> -> memref<128x128xf32, #tpu.memory_space<hbm>>
    %dma_wait3A_189 = arith.constant 0 : i32
    %dma_wait3A_190 = tpu.memref_slice %arg4[%add3A_169, %dma_wait3A_189] : memref<32768x128xf32, #tpu.memory_space<hbm>> -> memref<128x128xf32, #tpu.memory_space<hbm>>
    tpu.wait_dma2 semaphore(%arg10 : memref<!tpu.dma_semaphore, #tpu.memory_space<semaphore_mem>>) src(%arg6 : memref<128x128xf32, #tpu.memory_space<vmem>>) dst(%dma_wait3A_190 : memref<128x128xf32, #tpu.memory_space<hbm>>)
    %dma_wait3A_191 = arith.constant 0 : i32
    %dma_wait3A_192 = tpu.memref_slice %arg4[%add3A_182, %dma_wait3A_191] : memref<32768x128xf32, #tpu.memory_space<hbm>> -> memref<128x128xf32, #tpu.memory_space<hbm>>
    %dma_wait3A_193 = arith.constant 0 : i32
    %dma_wait3A_194 = tpu.memref_slice %arg4[%add3A_182, %dma_wait3A_193] : memref<32768x128xf32, #tpu.memory_space<hbm>> -> memref<128x128xf32, #tpu.memory_space<hbm>>
    tpu.wait_dma2 semaphore(%arg11 : memref<!tpu.dma_semaphore, #tpu.memory_space<semaphore_mem>>) src(%arg7 : memref<128x128xf32, #tpu.memory_space<vmem>>) dst(%dma_wait3A_194 : memref<128x128xf32, #tpu.memory_space<hbm>>)
    return
  }
}

module attributes {stable_mosaic.version = 14 : i64} {
  func.func @body(%arg0: i32, %arg1: memref<8192x128xf32, #tpu.memory_space<vmem>>, %arg2: memref<512x16x1xi32, #tpu.memory_space<vmem>>, %arg3: memref<128x384xf32, #tpu.memory_space<vmem>>, %arg4: memref<128x384xf32, #tpu.memory_space<vmem>>, %arg5: memref<1x384xf32, #tpu.memory_space<vmem>>, %arg6: memref<1x128xf32, #tpu.memory_space<vmem>>, %arg7: memref<128x16xf32, #tpu.memory_space<vmem>>, %arg8: memref<1x16xf32, #tpu.memory_space<vmem>>, %arg9: memref<16x16xf32, #tpu.memory_space<vmem>>, %arg10: memref<512x16x384xf32, #tpu.memory_space<vmem>>, %arg11: memref<16x128xf32, #tpu.memory_space<vmem>>, %arg12: memref<1x16x1xf32, #tpu.memory_space<vmem>>) attributes {dimension_semantics = [#tpu.dimension_semantics<arbitrary>], iteration_bounds = array<i64: 4>, scalar_prefetch = 0 : i64, scratch_operands = 3 : i64, tpu.core_type = #tpu.core_type<tc>, window_params = [{transform_indices = @transform_0, window_bounds = array<i64: 8192, 128>}, {transform_indices = @transform_1, window_bounds = array<i64: 512, 16, 1>}, {pipeline_mode = #tpu.pipeline_mode<synchronous>, transform_indices = @transform_2, window_bounds = array<i64: 128, 384>}, {pipeline_mode = #tpu.pipeline_mode<synchronous>, transform_indices = @transform_3, window_bounds = array<i64: 128, 384>}, {pipeline_mode = #tpu.pipeline_mode<synchronous>, transform_indices = @transform_4, window_bounds = array<i64: 1, 384>}, {pipeline_mode = #tpu.pipeline_mode<synchronous>, transform_indices = @transform_5, window_bounds = array<i64: 1, 128>}, {pipeline_mode = #tpu.pipeline_mode<synchronous>, transform_indices = @transform_6, window_bounds = array<i64: 128, 16>}, {pipeline_mode = #tpu.pipeline_mode<synchronous>, transform_indices = @transform_7, window_bounds = array<i64: 1, 16>}, {pipeline_mode = #tpu.pipeline_mode<synchronous>, transform_indices = @transform_8, window_bounds = array<i64: 16, 16>}]} {
    %eq3A = arith.constant 0 : i32
    %eq3A_0 = arith.cmpi eq, %arg0, %eq3A : i32
    %convert_element_type3A = arith.extui %eq3A_0 : i1 to i32
    %cond3A = arith.constant 0 : i32
    %cond3A_1 = arith.cmpi ne, %convert_element_type3A, %cond3A : i32
    scf.if %cond3A_1 {
      %broadcast_in_dim3A = arith.constant 0.000000e+00 : f32
      %broadcast_in_dim3A_68 = vector.broadcast %broadcast_in_dim3A : f32 to vector<16x128xf32>
      %swap3A_69 = arith.constant 0 : index
      %swap3A_70 = arith.constant 0 : index
      %swap3A_71 = vector.load %arg11[%swap3A_69, %swap3A_70] : memref<16x128xf32, #tpu.memory_space<vmem>>, vector<16x128xf32>
      tpu.vector_store %arg11[%swap3A_69, %swap3A_70], %broadcast_in_dim3A_68 {strides = array<i32>} : memref<16x128xf32, #tpu.memory_space<vmem>>, vector<16x128xf32>,
      %broadcast_in_dim3A_72 = arith.constant 0.000000e+00 : f32
      %broadcast_in_dim3A_73 = vector.broadcast %broadcast_in_dim3A_72 : f32 to vector<1x16x1xf32>
      %swap3A_74 = arith.constant 0 : index
      %swap3A_75 = arith.constant 0 : index
      %swap3A_76 = arith.constant 0 : index
      %swap3A_77 = vector.load %arg12[%swap3A_74, %swap3A_75, %swap3A_76] : memref<1x16x1xf32, #tpu.memory_space<vmem>>, vector<1x16x1xf32>
      tpu.vector_store %arg12[%swap3A_74, %swap3A_75, %swap3A_76], %broadcast_in_dim3A_73 {strides = array<i32>} : memref<1x16x1xf32, #tpu.memory_space<vmem>>, vector<1x16x1xf32>,
    } else {
    }
    %get3A = arith.constant 0 : index
    %get3A_2 = arith.constant 0 : index
    %get3A_3 = vector.load %arg1[%get3A, %get3A_2] : memref<8192x128xf32, #tpu.memory_space<vmem>>, vector<8192x128xf32>
    %get3A_4 = arith.constant 0 : index
    %get3A_5 = arith.constant 0 : index
    %get3A_6 = vector.load %arg3[%get3A_4, %get3A_5] : memref<128x384xf32, #tpu.memory_space<vmem>>, vector<128x384xf32>
    %dot_general3A = arith.constant dense<0.000000e+00> : vector<8192x384xf32>
    %dot_general3A_7 = tpu.matmul %get3A_3, %get3A_6, %dot_general3A {dimension_numbers = #tpu.dot_dimension_numbers<[1], [0], [0], [1], [0, 0, 1, 1], [], []>, transpose_lhs_hint = false} : vector<8192x128xf32>, vector<128x384xf32>, vector<8192x384xf32> -> vector<8192x384xf32>
    %get3A_8 = arith.constant 0 : index
    %get3A_9 = arith.constant 0 : index
    %get3A_10 = vector.load %arg5[%get3A_8, %get3A_9] : memref<1x384xf32, #tpu.memory_space<vmem>>, vector<1x384xf32>
    %add3A = vector.broadcast %get3A_10 : vector<1x384xf32> to vector<8192x384xf32>
    %add3A_11 = arith.addf %dot_general3A_7, %add3A : vector<8192x384xf32>
    %reshape3A = vector.shape_cast %add3A_11 : vector<8192x384xf32> to vector<512x16x384xf32>
    %swap3A = arith.constant 0 : index
    %swap3A_12 = arith.constant 0 : index
    %swap3A_13 = arith.constant 0 : index
    %swap3A_14 = vector.load %arg10[%swap3A, %swap3A_12, %swap3A_13] : memref<512x16x384xf32, #tpu.memory_space<vmem>>, vector<512x16x384xf32>
    tpu.vector_store %arg10[%swap3A, %swap3A_12, %swap3A_13], %reshape3A {strides = array<i32>} : memref<512x16x384xf32, #tpu.memory_space<vmem>>, vector<512x16x384xf32>,
    %get3A_15 = arith.constant 0 : index
    %get3A_16 = arith.constant 0 : index
    %get3A_17 = arith.constant 0 : index
    %get3A_18 = vector.load %arg2[%get3A_15, %get3A_16, %get3A_17] : memref<512x16x1xi32, #tpu.memory_space<vmem>>, vector<512x16x1xi32>
    %eq3A_19 = arith.constant 0 : i32
    %eq3A_20 = vector.broadcast %eq3A_19 : i32 to vector<512x16x1xi32>
    %eq3A_21 = arith.cmpi eq, %get3A_18, %eq3A_20 : vector<512x16x1xi32>
    %convert_element_type3A_22 = arith.extui %eq3A_21 : vector<512x16x1xi1> to vector<512x16x1xi32>
    %convert_element_type3A_23 = arith.sitofp %convert_element_type3A_22 : vector<512x16x1xi32> to vector<512x16x1xf32>
    %reduce_max3A = vector.shape_cast %convert_element_type3A_23 : vector<512x16x1xf32> to vector<1x512x16x1xf32>
    %reduce_max3A_24 = arith.constant dense<0xFF800000> : vector<1xf32>
    %reduce_max3A_25 = vector.multi_reduction <maximumf>, %reduce_max3A, %reduce_max3A_24 [1, 2, 3] : vector<1x512x16x1xf32> to vector<1xf32>
    %reduce_max3A_26 = vector.shape_cast %reduce_max3A_25 : vector<1xf32> to vector<1x1x1x1xf32>
    %reduce_max3A_27 = vector.extract %reduce_max3A_26[0, 0, 0, 0] : f32 from vector<1x1x1x1xf32>
    %gt3A = arith.constant 0.000000e+00 : f32
    %gt3A_28 = arith.cmpf ogt, %reduce_max3A_27, %gt3A : f32
    %get3A_29 = arith.constant 0 : index
    %get3A_30 = arith.constant 0 : index
    %get3A_31 = arith.constant 0 : index
    %get3A_32 = vector.load %arg12[%get3A_29, %get3A_30, %get3A_31] : memref<1x16x1xf32, #tpu.memory_space<vmem>>, vector<1x16x1xf32>
    %reduce_max3A_33 = vector.shape_cast %get3A_32 : vector<1x16x1xf32> to vector<1x1x16x1xf32>
    %reduce_max3A_34 = arith.constant dense<0xFF800000> : vector<1xf32>
    %reduce_max3A_35 = vector.multi_reduction <maximumf>, %reduce_max3A_33, %reduce_max3A_34 [1, 2, 3] : vector<1x1x16x1xf32> to vector<1xf32>
    %reduce_max3A_36 = vector.shape_cast %reduce_max3A_35 : vector<1xf32> to vector<1x1x1x1xf32>
    %reduce_max3A_37 = vector.extract %reduce_max3A_36[0, 0, 0, 0] : f32 from vector<1x1x1x1xf32>
    %gt3A_38 = arith.constant 0.000000e+00 : f32
    %gt3A_39 = arith.cmpf ogt, %reduce_max3A_37, %gt3A_38 : f32
    %or3A = arith.ori %gt3A_28, %gt3A_39 : i1
    %convert_element_type3A_40 = arith.extui %or3A : i1 to i32
    %cond3A_41 = arith.constant 0 : i32
    %cond3A_42 = arith.cmpi ne, %convert_element_type3A_40, %cond3A_41 : i32
    scf.if %cond3A_42 {
      %broadcast_in_dim3A = arith.constant 0.000000e+00 : f32
      %broadcast_in_dim3A_68 = vector.broadcast %broadcast_in_dim3A : f32 to vector<1x16x1xf32>
      %broadcast_in_dim3A_69 = arith.constant 0.000000e+00 : f32
      %broadcast_in_dim3A_70 = vector.broadcast %broadcast_in_dim3A_69 : f32 to vector<1x16x1xf32>
      %slice3A = vector.extract_strided_slice %convert_element_type3A_23 {offsets = [0, 0, 0], sizes = [511, 16, 1], strides = [1, 1, 1]} : vector<512x16x1xf32> to vector<511x16x1xf32>
      %concatenate3A = tpu.concatenate %broadcast_in_dim3A_70, %slice3A in 0 : vector<1x16x1xf32>, vector<511x16x1xf32> -> vector<512x16x1xf32>
      %max3A = arith.maximumf %convert_element_type3A_23, %concatenate3A : vector<512x16x1xf32>
      %broadcast_in_dim3A_71 = arith.constant 0.000000e+00 : f32
      %broadcast_in_dim3A_72 = vector.broadcast %broadcast_in_dim3A_71 : f32 to vector<2x16x1xf32>
      %slice3A_73 = vector.extract_strided_slice %max3A {offsets = [0, 0, 0], sizes = [510, 16, 1], strides = [1, 1, 1]} : vector<512x16x1xf32> to vector<510x16x1xf32>
      %concatenate3A_74 = tpu.concatenate %broadcast_in_dim3A_72, %slice3A_73 in 0 : vector<2x16x1xf32>, vector<510x16x1xf32> -> vector<512x16x1xf32>
      %max3A_75 = arith.maximumf %max3A, %concatenate3A_74 : vector<512x16x1xf32>
      %broadcast_in_dim3A_76 = arith.constant 0.000000e+00 : f32
      %broadcast_in_dim3A_77 = vector.broadcast %broadcast_in_dim3A_76 : f32 to vector<4x16x1xf32>
      %slice3A_78 = vector.extract_strided_slice %max3A_75 {offsets = [0, 0, 0], sizes = [508, 16, 1], strides = [1, 1, 1]} : vector<512x16x1xf32> to vector<508x16x1xf32>
      %concatenate3A_79 = tpu.concatenate %broadcast_in_dim3A_77, %slice3A_78 in 0 : vector<4x16x1xf32>, vector<508x16x1xf32> -> vector<512x16x1xf32>
      %max3A_80 = arith.maximumf %max3A_75, %concatenate3A_79 : vector<512x16x1xf32>
      %broadcast_in_dim3A_81 = arith.constant 0.000000e+00 : f32
      %broadcast_in_dim3A_82 = vector.broadcast %broadcast_in_dim3A_81 : f32 to vector<8x16x1xf32>
      %slice3A_83 = vector.extract_strided_slice %max3A_80 {offsets = [0, 0, 0], sizes = [504, 16, 1], strides = [1, 1, 1]} : vector<512x16x1xf32> to vector<504x16x1xf32>
      %concatenate3A_84 = tpu.concatenate %broadcast_in_dim3A_82, %slice3A_83 in 0 : vector<8x16x1xf32>, vector<504x16x1xf32> -> vector<512x16x1xf32>
      %max3A_85 = arith.maximumf %max3A_80, %concatenate3A_84 : vector<512x16x1xf32>
      %broadcast_in_dim3A_86 = arith.constant 0.000000e+00 : f32
      %broadcast_in_dim3A_87 = vector.broadcast %broadcast_in_dim3A_86 : f32 to vector<16x16x1xf32>
      %slice3A_88 = vector.extract_strided_slice %max3A_85 {offsets = [0, 0, 0], sizes = [496, 16, 1], strides = [1, 1, 1]} : vector<512x16x1xf32> to vector<496x16x1xf32>
      %concatenate3A_89 = tpu.concatenate %broadcast_in_dim3A_87, %slice3A_88 in 0 : vector<16x16x1xf32>, vector<496x16x1xf32> -> vector<512x16x1xf32>
      %max3A_90 = arith.maximumf %max3A_85, %concatenate3A_89 : vector<512x16x1xf32>
      %broadcast_in_dim3A_91 = arith.constant 0.000000e+00 : f32
      %broadcast_in_dim3A_92 = vector.broadcast %broadcast_in_dim3A_91 : f32 to vector<32x16x1xf32>
      %slice3A_93 = vector.extract_strided_slice %max3A_90 {offsets = [0, 0, 0], sizes = [480, 16, 1], strides = [1, 1, 1]} : vector<512x16x1xf32> to vector<480x16x1xf32>
      %concatenate3A_94 = tpu.concatenate %broadcast_in_dim3A_92, %slice3A_93 in 0 : vector<32x16x1xf32>, vector<480x16x1xf32> -> vector<512x16x1xf32>
      %max3A_95 = arith.maximumf %max3A_90, %concatenate3A_94 : vector<512x16x1xf32>
      %broadcast_in_dim3A_96 = arith.constant 0.000000e+00 : f32
      %broadcast_in_dim3A_97 = vector.broadcast %broadcast_in_dim3A_96 : f32 to vector<64x16x1xf32>
      %slice3A_98 = vector.extract_strided_slice %max3A_95 {offsets = [0, 0, 0], sizes = [448, 16, 1], strides = [1, 1, 1]} : vector<512x16x1xf32> to vector<448x16x1xf32>
      %concatenate3A_99 = tpu.concatenate %broadcast_in_dim3A_97, %slice3A_98 in 0 : vector<64x16x1xf32>, vector<448x16x1xf32> -> vector<512x16x1xf32>
      %max3A_100 = arith.maximumf %max3A_95, %concatenate3A_99 : vector<512x16x1xf32>
      %broadcast_in_dim3A_101 = arith.constant 0.000000e+00 : f32
      %broadcast_in_dim3A_102 = vector.broadcast %broadcast_in_dim3A_101 : f32 to vector<128x16x1xf32>
      %slice3A_103 = vector.extract_strided_slice %max3A_100 {offsets = [0, 0, 0], sizes = [384, 16, 1], strides = [1, 1, 1]} : vector<512x16x1xf32> to vector<384x16x1xf32>
      %concatenate3A_104 = tpu.concatenate %broadcast_in_dim3A_102, %slice3A_103 in 0 : vector<128x16x1xf32>, vector<384x16x1xf32> -> vector<512x16x1xf32>
      %max3A_105 = arith.maximumf %max3A_100, %concatenate3A_104 : vector<512x16x1xf32>
      %broadcast_in_dim3A_106 = arith.constant 0.000000e+00 : f32
      %broadcast_in_dim3A_107 = vector.broadcast %broadcast_in_dim3A_106 : f32 to vector<256x16x1xf32>
      %slice3A_108 = vector.extract_strided_slice %max3A_105 {offsets = [0, 0, 0], sizes = [256, 16, 1], strides = [1, 1, 1]} : vector<512x16x1xf32> to vector<256x16x1xf32>
      %concatenate3A_109 = tpu.concatenate %broadcast_in_dim3A_107, %slice3A_108 in 0 : vector<256x16x1xf32>, vector<256x16x1xf32> -> vector<512x16x1xf32>
      %max3A_110 = arith.maximumf %max3A_105, %concatenate3A_109 : vector<512x16x1xf32>
      %slice3A_111 = vector.extract_strided_slice %max3A_110 {offsets = [0, 0, 0], sizes = [511, 16, 1], strides = [1, 1, 1]} : vector<512x16x1xf32> to vector<511x16x1xf32>
      %concatenate3A_112 = tpu.concatenate %broadcast_in_dim3A_68, %slice3A_111 in 0 : vector<1x16x1xf32>, vector<511x16x1xf32> -> vector<512x16x1xf32>
      %get3A_113 = arith.constant 0 : index
      %get3A_114 = arith.constant 0 : index
      %get3A_115 = arith.constant 0 : index
      %get3A_116 = vector.load %arg12[%get3A_113, %get3A_114, %get3A_115] : memref<1x16x1xf32, #tpu.memory_space<vmem>>, vector<1x16x1xf32>
      %max3A_117 = vector.broadcast %get3A_116 : vector<1x16x1xf32> to vector<512x16x1xf32>
      %max3A_118 = arith.maximumf %concatenate3A_112, %max3A_117 : vector<512x16x1xf32>
      %get3A_119 = arith.constant 0 : index
      %get3A_120 = arith.constant 0 : index
      %get3A_121 = arith.constant 128 : index
      %get3A_122 = vector.load %arg10[%get3A_119, %get3A_120, %get3A_121] : memref<512x16x384xf32, #tpu.memory_space<vmem>>, vector<512x16x128xf32>
      %mul3A = arith.constant 1.000000e+09 : f32
      %mul3A_123 = vector.broadcast %mul3A : f32 to vector<512x16x1xf32>
      %mul3A_124 = arith.mulf %max3A_118, %mul3A_123 : vector<512x16x1xf32>
      %add3A_125 = vector.broadcast %mul3A_124 : vector<512x16x1xf32> to vector<512x16x128xf32>
      %add3A_126 = arith.addf %get3A_122, %add3A_125 : vector<512x16x128xf32>
      %swap3A_127 = arith.constant 0 : index
      %swap3A_128 = arith.constant 0 : index
      %swap3A_129 = arith.constant 128 : index
      %swap3A_130 = vector.load %arg10[%swap3A_127, %swap3A_128, %swap3A_129] : memref<512x16x384xf32, #tpu.memory_space<vmem>>, vector<512x16x128xf32>
      tpu.vector_store %arg10[%swap3A_127, %swap3A_128, %swap3A_129], %add3A_126 {strides = array<i32>} : memref<512x16x384xf32, #tpu.memory_space<vmem>>, vector<512x16x128xf32>,
      %get3A_131 = arith.constant 0 : index
      %get3A_132 = arith.constant 0 : index
      %get3A_133 = arith.constant 0 : index
      %get3A_134 = vector.load %arg12[%get3A_131, %get3A_132, %get3A_133] : memref<1x16x1xf32, #tpu.memory_space<vmem>>, vector<1x16x1xf32>
      %slice3A_135 = vector.extract_strided_slice %max3A_110 {offsets = [511, 0, 0], sizes = [1, 16, 1], strides = [1, 1, 1]} : vector<512x16x1xf32> to vector<1x16x1xf32>
      %max3A_136 = arith.maximumf %get3A_134, %slice3A_135 : vector<1x16x1xf32>
      %swap3A_137 = arith.constant 0 : index
      %swap3A_138 = arith.constant 0 : index
      %swap3A_139 = arith.constant 0 : index
      %swap3A_140 = vector.load %arg12[%swap3A_137, %swap3A_138, %swap3A_139] : memref<1x16x1xf32, #tpu.memory_space<vmem>>, vector<1x16x1xf32>
      tpu.vector_store %arg12[%swap3A_137, %swap3A_138, %swap3A_139], %max3A_136 {strides = array<i32>} : memref<1x16x1xf32, #tpu.memory_space<vmem>>, vector<1x16x1xf32>,
    } else {
    }
    %get3A_43 = arith.constant 0 : index
    %get3A_44 = arith.constant 0 : index
    %get3A_45 = vector.load %arg4[%get3A_43, %get3A_44] : memref<128x384xf32, #tpu.memory_space<vmem>>, vector<128x256xf32>
    %get3A_46 = arith.constant 0 : index
    %get3A_47 = arith.constant 256 : index
    %get3A_48 = vector.load %arg4[%get3A_46, %get3A_47] : memref<128x384xf32, #tpu.memory_space<vmem>>, vector<128x128xf32>
    %get3A_49 = arith.constant 0 : index
    %get3A_50 = arith.constant 0 : index
    %get3A_51 = vector.load %arg6[%get3A_49, %get3A_50] : memref<1x128xf32, #tpu.memory_space<vmem>>, vector<1x128xf32>
    %get3A_52 = arith.constant 0 : index
    %get3A_53 = arith.constant 0 : index
    %get3A_54 = vector.load %arg11[%get3A_52, %get3A_53] : memref<16x128xf32, #tpu.memory_space<vmem>>, vector<16x128xf32>
    %scan3A = arith.constant 0 : i32
    %scan3A_55 = arith.constant 512 : i32
    %scan3A_56 = arith.addi %scan3A, %scan3A_55 : i32
    %scan3A_57 = arith.constant 8 : i32
    %scan3A_58 = scf.for %scan3A_68 = %scan3A to %scan3A_56 step %scan3A_57 iter_args(%scan3A_69 = %get3A_54) -> (vector<16x128xf32>)  : i32 {
      %get3A_70 = arith.index_cast %scan3A_68 : i32 to index
      %get3A_71 = arith.constant 0 : index
      %get3A_72 = arith.constant 0 : index
      %get3A_73 = vector.load %arg10[%get3A_70, %get3A_71, %get3A_72] : memref<512x16x384xf32, #tpu.memory_space<vmem>>, vector<1x16x384xf32>
      %get3A_74 = vector.shape_cast %get3A_73 : vector<1x16x384xf32> to vector<16x384xf32>
      %dot_general3A_75 = arith.constant dense<0.000000e+00> : vector<16x256xf32>
      %dot_general3A_76 = tpu.matmul %scan3A_69, %get3A_45, %dot_general3A_75 {dimension_numbers = #tpu.dot_dimension_numbers<[1], [0], [0], [1], [0, 0, 1, 1], [], []>, transpose_lhs_hint = false} : vector<16x128xf32>, vector<128x256xf32>, vector<16x256xf32> -> vector<16x256xf32>
      %dot_general3A_77 = arith.constant dense<0.000000e+00> : vector<16x128xf32>
      %dot_general3A_78 = tpu.matmul %scan3A_69, %get3A_48, %dot_general3A_77 {dimension_numbers = #tpu.dot_dimension_numbers<[1], [0], [0], [1], [0, 0, 1, 1], [], []>, transpose_lhs_hint = false} : vector<16x128xf32>, vector<128x128xf32>, vector<16x128xf32> -> vector<16x128xf32>
      %slice3A = vector.extract_strided_slice %get3A_74 {offsets = [0, 0], sizes = [16, 128], strides = [1, 1]} : vector<16x384xf32> to vector<16x128xf32>
      %slice3A_79 = vector.extract_strided_slice %dot_general3A_76 {offsets = [0, 0], sizes = [16, 128], strides = [1, 1]} : vector<16x256xf32> to vector<16x128xf32>
      %add3A_80 = arith.addf %slice3A, %slice3A_79 : vector<16x128xf32>
      %mul3A = arith.constant 5.000000e-01 : f32
      %mul3A_81 = vector.broadcast %mul3A : f32 to vector<16x128xf32>
      %mul3A_82 = arith.mulf %mul3A_81, %add3A_80 : vector<16x128xf32>
      %tanh3A = math.tanh %mul3A_82 : vector<16x128xf32>
      %mul3A_83 = arith.constant 5.000000e-01 : f32
      %mul3A_84 = vector.broadcast %mul3A_83 : f32 to vector<16x128xf32>
      %mul3A_85 = arith.mulf %mul3A_84, %tanh3A : vector<16x128xf32>
      %add3A_86 = arith.constant 5.000000e-01 : f32
      %add3A_87 = vector.broadcast %add3A_86 : f32 to vector<16x128xf32>
      %add3A_88 = arith.addf %mul3A_85, %add3A_87 : vector<16x128xf32>
      %slice3A_89 = vector.extract_strided_slice %get3A_74 {offsets = [0, 128], sizes = [16, 128], strides = [1, 1]} : vector<16x384xf32> to vector<16x128xf32>
      %slice3A_90 = vector.extract_strided_slice %dot_general3A_76 {offsets = [0, 128], sizes = [16, 128], strides = [1, 1]} : vector<16x256xf32> to vector<16x128xf32>
      %add3A_91 = arith.addf %slice3A_89, %slice3A_90 : vector<16x128xf32>
      %mul3A_92 = arith.constant 5.000000e-01 : f32
      %mul3A_93 = vector.broadcast %mul3A_92 : f32 to vector<16x128xf32>
      %mul3A_94 = arith.mulf %mul3A_93, %add3A_91 : vector<16x128xf32>
      %tanh3A_95 = math.tanh %mul3A_94 : vector<16x128xf32>
      %mul3A_96 = arith.constant 5.000000e-01 : f32
      %mul3A_97 = vector.broadcast %mul3A_96 : f32 to vector<16x128xf32>
      %mul3A_98 = arith.mulf %mul3A_97, %tanh3A_95 : vector<16x128xf32>
      %add3A_99 = arith.constant 5.000000e-01 : f32
      %add3A_100 = vector.broadcast %add3A_99 : f32 to vector<16x128xf32>
      %add3A_101 = arith.addf %mul3A_98, %add3A_100 : vector<16x128xf32>
      %mul3A_102 = arith.constant 5.000000e-01 : f32
      %mul3A_103 = vector.broadcast %mul3A_102 : f32 to vector<16x128xf32>
      %mul3A_104 = arith.mulf %mul3A_103, %tanh3A_95 : vector<16x128xf32>
      %sub3A = arith.constant 5.000000e-01 : f32
      %sub3A_105 = vector.broadcast %sub3A : f32 to vector<16x128xf32>
      %sub3A_106 = arith.subf %sub3A_105, %mul3A_104 : vector<16x128xf32>
      %slice3A_107 = vector.extract_strided_slice %get3A_74 {offsets = [0, 256], sizes = [16, 128], strides = [1, 1]} : vector<16x384xf32> to vector<16x128xf32>
      %add3A_108 = vector.broadcast %get3A_51 : vector<1x128xf32> to vector<16x128xf32>
      %add3A_109 = arith.addf %dot_general3A_78, %add3A_108 : vector<16x128xf32>
      %mul3A_110 = arith.mulf %add3A_88, %add3A_109 : vector<16x128xf32>
      %add3A_111 = arith.addf %slice3A_107, %mul3A_110 : vector<16x128xf32>
      %tanh3A_112 = math.tanh %add3A_111 : vector<16x128xf32>
      %mul3A_113 = arith.mulf %sub3A_106, %tanh3A_112 : vector<16x128xf32>
      %mul3A_114 = arith.mulf %add3A_101, %scan3A_69 : vector<16x128xf32>
      %add3A_115 = arith.addf %mul3A_113, %mul3A_114 : vector<16x128xf32>
      %scan3A_116 = arith.constant 1 : i32
      %scan3A_117 = arith.addi %scan3A_68, %scan3A_116 : i32
      %get3A_118 = arith.index_cast %scan3A_117 : i32 to index
      %get3A_119 = arith.constant 0 : index
      %get3A_120 = arith.constant 0 : index
      %get3A_121 = vector.load %arg10[%get3A_118, %get3A_119, %get3A_120] : memref<512x16x384xf32, #tpu.memory_space<vmem>>, vector<1x16x384xf32>
      %get3A_122 = vector.shape_cast %get3A_121 : vector<1x16x384xf32> to vector<16x384xf32>
      %dot_general3A_123 = arith.constant dense<0.000000e+00> : vector<16x256xf32>
      %dot_general3A_124 = tpu.matmul %add3A_115, %get3A_45, %dot_general3A_123 {dimension_numbers = #tpu.dot_dimension_numbers<[1], [0], [0], [1], [0, 0, 1, 1], [], []>, transpose_lhs_hint = false} : vector<16x128xf32>, vector<128x256xf32>, vector<16x256xf32> -> vector<16x256xf32>
      %dot_general3A_125 = arith.constant dense<0.000000e+00> : vector<16x128xf32>
      %dot_general3A_126 = tpu.matmul %add3A_115, %get3A_48, %dot_general3A_125 {dimension_numbers = #tpu.dot_dimension_numbers<[1], [0], [0], [1], [0, 0, 1, 1], [], []>, transpose_lhs_hint = false} : vector<16x128xf32>, vector<128x128xf32>, vector<16x128xf32> -> vector<16x128xf32>
      %slice3A_127 = vector.extract_strided_slice %get3A_122 {offsets = [0, 0], sizes = [16, 128], strides = [1, 1]} : vector<16x384xf32> to vector<16x128xf32>
      %slice3A_128 = vector.extract_strided_slice %dot_general3A_124 {offsets = [0, 0], sizes = [16, 128], strides = [1, 1]} : vector<16x256xf32> to vector<16x128xf32>
      %add3A_129 = arith.addf %slice3A_127, %slice3A_128 : vector<16x128xf32>
      %mul3A_130 = arith.constant 5.000000e-01 : f32
      %mul3A_131 = vector.broadcast %mul3A_130 : f32 to vector<16x128xf32>
      %mul3A_132 = arith.mulf %mul3A_131, %add3A_129 : vector<16x128xf32>
      %tanh3A_133 = math.tanh %mul3A_132 : vector<16x128xf32>
      %mul3A_134 = arith.constant 5.000000e-01 : f32
      %mul3A_135 = vector.broadcast %mul3A_134 : f32 to vector<16x128xf32>
      %mul3A_136 = arith.mulf %mul3A_135, %tanh3A_133 : vector<16x128xf32>
      %add3A_137 = arith.constant 5.000000e-01 : f32
      %add3A_138 = vector.broadcast %add3A_137 : f32 to vector<16x128xf32>
      %add3A_139 = arith.addf %mul3A_136, %add3A_138 : vector<16x128xf32>
      %slice3A_140 = vector.extract_strided_slice %get3A_122 {offsets = [0, 128], sizes = [16, 128], strides = [1, 1]} : vector<16x384xf32> to vector<16x128xf32>
      %slice3A_141 = vector.extract_strided_slice %dot_general3A_124 {offsets = [0, 128], sizes = [16, 128], strides = [1, 1]} : vector<16x256xf32> to vector<16x128xf32>
      %add3A_142 = arith.addf %slice3A_140, %slice3A_141 : vector<16x128xf32>
      %mul3A_143 = arith.constant 5.000000e-01 : f32
      %mul3A_144 = vector.broadcast %mul3A_143 : f32 to vector<16x128xf32>
      %mul3A_145 = arith.mulf %mul3A_144, %add3A_142 : vector<16x128xf32>
      %tanh3A_146 = math.tanh %mul3A_145 : vector<16x128xf32>
      %mul3A_147 = arith.constant 5.000000e-01 : f32
      %mul3A_148 = vector.broadcast %mul3A_147 : f32 to vector<16x128xf32>
      %mul3A_149 = arith.mulf %mul3A_148, %tanh3A_146 : vector<16x128xf32>
      %add3A_150 = arith.constant 5.000000e-01 : f32
      %add3A_151 = vector.broadcast %add3A_150 : f32 to vector<16x128xf32>
      %add3A_152 = arith.addf %mul3A_149, %add3A_151 : vector<16x128xf32>
      %mul3A_153 = arith.constant 5.000000e-01 : f32
      %mul3A_154 = vector.broadcast %mul3A_153 : f32 to vector<16x128xf32>
      %mul3A_155 = arith.mulf %mul3A_154, %tanh3A_146 : vector<16x128xf32>
      %sub3A_156 = arith.constant 5.000000e-01 : f32
      %sub3A_157 = vector.broadcast %sub3A_156 : f32 to vector<16x128xf32>
      %sub3A_158 = arith.subf %sub3A_157, %mul3A_155 : vector<16x128xf32>
      %slice3A_159 = vector.extract_strided_slice %get3A_122 {offsets = [0, 256], sizes = [16, 128], strides = [1, 1]} : vector<16x384xf32> to vector<16x128xf32>
      %add3A_160 = vector.broadcast %get3A_51 : vector<1x128xf32> to vector<16x128xf32>
      %add3A_161 = arith.addf %dot_general3A_126, %add3A_160 : vector<16x128xf32>
      %mul3A_162 = arith.mulf %add3A_139, %add3A_161 : vector<16x128xf32>
      %add3A_163 = arith.addf %slice3A_159, %mul3A_162 : vector<16x128xf32>
      %tanh3A_164 = math.tanh %add3A_163 : vector<16x128xf32>
      %mul3A_165 = arith.mulf %sub3A_158, %tanh3A_164 : vector<16x128xf32>
      %mul3A_166 = arith.mulf %add3A_152, %add3A_115 : vector<16x128xf32>
      %add3A_167 = arith.addf %mul3A_165, %mul3A_166 : vector<16x128xf32>
      %scan3A_168 = arith.constant 2 : i32
      %scan3A_169 = arith.addi %scan3A_68, %scan3A_168 : i32
      %get3A_170 = arith.index_cast %scan3A_169 : i32 to index
      %get3A_171 = arith.constant 0 : index
      %get3A_172 = arith.constant 0 : index
      %get3A_173 = vector.load %arg10[%get3A_170, %get3A_171, %get3A_172] : memref<512x16x384xf32, #tpu.memory_space<vmem>>, vector<1x16x384xf32>
      %get3A_174 = vector.shape_cast %get3A_173 : vector<1x16x384xf32> to vector<16x384xf32>
      %dot_general3A_175 = arith.constant dense<0.000000e+00> : vector<16x256xf32>
      %dot_general3A_176 = tpu.matmul %add3A_167, %get3A_45, %dot_general3A_175 {dimension_numbers = #tpu.dot_dimension_numbers<[1], [0], [0], [1], [0, 0, 1, 1], [], []>, transpose_lhs_hint = false} : vector<16x128xf32>, vector<128x256xf32>, vector<16x256xf32> -> vector<16x256xf32>
      %dot_general3A_177 = arith.constant dense<0.000000e+00> : vector<16x128xf32>
      %dot_general3A_178 = tpu.matmul %add3A_167, %get3A_48, %dot_general3A_177 {dimension_numbers = #tpu.dot_dimension_numbers<[1], [0], [0], [1], [0, 0, 1, 1], [], []>, transpose_lhs_hint = false} : vector<16x128xf32>, vector<128x128xf32>, vector<16x128xf32> -> vector<16x128xf32>
      %slice3A_179 = vector.extract_strided_slice %get3A_174 {offsets = [0, 0], sizes = [16, 128], strides = [1, 1]} : vector<16x384xf32> to vector<16x128xf32>
      %slice3A_180 = vector.extract_strided_slice %dot_general3A_176 {offsets = [0, 0], sizes = [16, 128], strides = [1, 1]} : vector<16x256xf32> to vector<16x128xf32>
      %add3A_181 = arith.addf %slice3A_179, %slice3A_180 : vector<16x128xf32>
      %mul3A_182 = arith.constant 5.000000e-01 : f32
      %mul3A_183 = vector.broadcast %mul3A_182 : f32 to vector<16x128xf32>
      %mul3A_184 = arith.mulf %mul3A_183, %add3A_181 : vector<16x128xf32>
      %tanh3A_185 = math.tanh %mul3A_184 : vector<16x128xf32>
      %mul3A_186 = arith.constant 5.000000e-01 : f32
      %mul3A_187 = vector.broadcast %mul3A_186 : f32 to vector<16x128xf32>
      %mul3A_188 = arith.mulf %mul3A_187, %tanh3A_185 : vector<16x128xf32>
      %add3A_189 = arith.constant 5.000000e-01 : f32
      %add3A_190 = vector.broadcast %add3A_189 : f32 to vector<16x128xf32>
      %add3A_191 = arith.addf %mul3A_188, %add3A_190 : vector<16x128xf32>
      %slice3A_192 = vector.extract_strided_slice %get3A_174 {offsets = [0, 128], sizes = [16, 128], strides = [1, 1]} : vector<16x384xf32> to vector<16x128xf32>
      %slice3A_193 = vector.extract_strided_slice %dot_general3A_176 {offsets = [0, 128], sizes = [16, 128], strides = [1, 1]} : vector<16x256xf32> to vector<16x128xf32>
      %add3A_194 = arith.addf %slice3A_192, %slice3A_193 : vector<16x128xf32>
      %mul3A_195 = arith.constant 5.000000e-01 : f32
      %mul3A_196 = vector.broadcast %mul3A_195 : f32 to vector<16x128xf32>
      %mul3A_197 = arith.mulf %mul3A_196, %add3A_194 : vector<16x128xf32>
      %tanh3A_198 = math.tanh %mul3A_197 : vector<16x128xf32>
      %mul3A_199 = arith.constant 5.000000e-01 : f32
      %mul3A_200 = vector.broadcast %mul3A_199 : f32 to vector<16x128xf32>
      %mul3A_201 = arith.mulf %mul3A_200, %tanh3A_198 : vector<16x128xf32>
      %add3A_202 = arith.constant 5.000000e-01 : f32
      %add3A_203 = vector.broadcast %add3A_202 : f32 to vector<16x128xf32>
      %add3A_204 = arith.addf %mul3A_201, %add3A_203 : vector<16x128xf32>
      %mul3A_205 = arith.constant 5.000000e-01 : f32
      %mul3A_206 = vector.broadcast %mul3A_205 : f32 to vector<16x128xf32>
      %mul3A_207 = arith.mulf %mul3A_206, %tanh3A_198 : vector<16x128xf32>
      %sub3A_208 = arith.constant 5.000000e-01 : f32
      %sub3A_209 = vector.broadcast %sub3A_208 : f32 to vector<16x128xf32>
      %sub3A_210 = arith.subf %sub3A_209, %mul3A_207 : vector<16x128xf32>
      %slice3A_211 = vector.extract_strided_slice %get3A_174 {offsets = [0, 256], sizes = [16, 128], strides = [1, 1]} : vector<16x384xf32> to vector<16x128xf32>
      %add3A_212 = vector.broadcast %get3A_51 : vector<1x128xf32> to vector<16x128xf32>
      %add3A_213 = arith.addf %dot_general3A_178, %add3A_212 : vector<16x128xf32>
      %mul3A_214 = arith.mulf %add3A_191, %add3A_213 : vector<16x128xf32>
      %add3A_215 = arith.addf %slice3A_211, %mul3A_214 : vector<16x128xf32>
      %tanh3A_216 = math.tanh %add3A_215 : vector<16x128xf32>
      %mul3A_217 = arith.mulf %sub3A_210, %tanh3A_216 : vector<16x128xf32>
      %mul3A_218 = arith.mulf %add3A_204, %add3A_167 : vector<16x128xf32>
      %add3A_219 = arith.addf %mul3A_217, %mul3A_218 : vector<16x128xf32>
      %scan3A_220 = arith.constant 3 : i32
      %scan3A_221 = arith.addi %scan3A_68, %scan3A_220 : i32
      %get3A_222 = arith.index_cast %scan3A_221 : i32 to index
      %get3A_223 = arith.constant 0 : index
      %get3A_224 = arith.constant 0 : index
      %get3A_225 = vector.load %arg10[%get3A_222, %get3A_223, %get3A_224] : memref<512x16x384xf32, #tpu.memory_space<vmem>>, vector<1x16x384xf32>
      %get3A_226 = vector.shape_cast %get3A_225 : vector<1x16x384xf32> to vector<16x384xf32>
      %dot_general3A_227 = arith.constant dense<0.000000e+00> : vector<16x256xf32>
      %dot_general3A_228 = tpu.matmul %add3A_219, %get3A_45, %dot_general3A_227 {dimension_numbers = #tpu.dot_dimension_numbers<[1], [0], [0], [1], [0, 0, 1, 1], [], []>, transpose_lhs_hint = false} : vector<16x128xf32>, vector<128x256xf32>, vector<16x256xf32> -> vector<16x256xf32>
      %dot_general3A_229 = arith.constant dense<0.000000e+00> : vector<16x128xf32>
      %dot_general3A_230 = tpu.matmul %add3A_219, %get3A_48, %dot_general3A_229 {dimension_numbers = #tpu.dot_dimension_numbers<[1], [0], [0], [1], [0, 0, 1, 1], [], []>, transpose_lhs_hint = false} : vector<16x128xf32>, vector<128x128xf32>, vector<16x128xf32> -> vector<16x128xf32>
      %slice3A_231 = vector.extract_strided_slice %get3A_226 {offsets = [0, 0], sizes = [16, 128], strides = [1, 1]} : vector<16x384xf32> to vector<16x128xf32>
      %slice3A_232 = vector.extract_strided_slice %dot_general3A_228 {offsets = [0, 0], sizes = [16, 128], strides = [1, 1]} : vector<16x256xf32> to vector<16x128xf32>
      %add3A_233 = arith.addf %slice3A_231, %slice3A_232 : vector<16x128xf32>
      %mul3A_234 = arith.constant 5.000000e-01 : f32
      %mul3A_235 = vector.broadcast %mul3A_234 : f32 to vector<16x128xf32>
      %mul3A_236 = arith.mulf %mul3A_235, %add3A_233 : vector<16x128xf32>
      %tanh3A_237 = math.tanh %mul3A_236 : vector<16x128xf32>
      %mul3A_238 = arith.constant 5.000000e-01 : f32
      %mul3A_239 = vector.broadcast %mul3A_238 : f32 to vector<16x128xf32>
      %mul3A_240 = arith.mulf %mul3A_239, %tanh3A_237 : vector<16x128xf32>
      %add3A_241 = arith.constant 5.000000e-01 : f32
      %add3A_242 = vector.broadcast %add3A_241 : f32 to vector<16x128xf32>
      %add3A_243 = arith.addf %mul3A_240, %add3A_242 : vector<16x128xf32>
      %slice3A_244 = vector.extract_strided_slice %get3A_226 {offsets = [0, 128], sizes = [16, 128], strides = [1, 1]} : vector<16x384xf32> to vector<16x128xf32>
      %slice3A_245 = vector.extract_strided_slice %dot_general3A_228 {offsets = [0, 128], sizes = [16, 128], strides = [1, 1]} : vector<16x256xf32> to vector<16x128xf32>
      %add3A_246 = arith.addf %slice3A_244, %slice3A_245 : vector<16x128xf32>
      %mul3A_247 = arith.constant 5.000000e-01 : f32
      %mul3A_248 = vector.broadcast %mul3A_247 : f32 to vector<16x128xf32>
      %mul3A_249 = arith.mulf %mul3A_248, %add3A_246 : vector<16x128xf32>
      %tanh3A_250 = math.tanh %mul3A_249 : vector<16x128xf32>
      %mul3A_251 = arith.constant 5.000000e-01 : f32
      %mul3A_252 = vector.broadcast %mul3A_251 : f32 to vector<16x128xf32>
      %mul3A_253 = arith.mulf %mul3A_252, %tanh3A_250 : vector<16x128xf32>
      %add3A_254 = arith.constant 5.000000e-01 : f32
      %add3A_255 = vector.broadcast %add3A_254 : f32 to vector<16x128xf32>
      %add3A_256 = arith.addf %mul3A_253, %add3A_255 : vector<16x128xf32>
      %mul3A_257 = arith.constant 5.000000e-01 : f32
      %mul3A_258 = vector.broadcast %mul3A_257 : f32 to vector<16x128xf32>
      %mul3A_259 = arith.mulf %mul3A_258, %tanh3A_250 : vector<16x128xf32>
      %sub3A_260 = arith.constant 5.000000e-01 : f32
      %sub3A_261 = vector.broadcast %sub3A_260 : f32 to vector<16x128xf32>
      %sub3A_262 = arith.subf %sub3A_261, %mul3A_259 : vector<16x128xf32>
      %slice3A_263 = vector.extract_strided_slice %get3A_226 {offsets = [0, 256], sizes = [16, 128], strides = [1, 1]} : vector<16x384xf32> to vector<16x128xf32>
      %add3A_264 = vector.broadcast %get3A_51 : vector<1x128xf32> to vector<16x128xf32>
      %add3A_265 = arith.addf %dot_general3A_230, %add3A_264 : vector<16x128xf32>
      %mul3A_266 = arith.mulf %add3A_243, %add3A_265 : vector<16x128xf32>
      %add3A_267 = arith.addf %slice3A_263, %mul3A_266 : vector<16x128xf32>
      %tanh3A_268 = math.tanh %add3A_267 : vector<16x128xf32>
      %mul3A_269 = arith.mulf %sub3A_262, %tanh3A_268 : vector<16x128xf32>
      %mul3A_270 = arith.mulf %add3A_256, %add3A_219 : vector<16x128xf32>
      %add3A_271 = arith.addf %mul3A_269, %mul3A_270 : vector<16x128xf32>
      %scan3A_272 = arith.constant 4 : i32
      %scan3A_273 = arith.addi %scan3A_68, %scan3A_272 : i32
      %get3A_274 = arith.index_cast %scan3A_273 : i32 to index
      %get3A_275 = arith.constant 0 : index
      %get3A_276 = arith.constant 0 : index
      %get3A_277 = vector.load %arg10[%get3A_274, %get3A_275, %get3A_276] : memref<512x16x384xf32, #tpu.memory_space<vmem>>, vector<1x16x384xf32>
      %get3A_278 = vector.shape_cast %get3A_277 : vector<1x16x384xf32> to vector<16x384xf32>
      %dot_general3A_279 = arith.constant dense<0.000000e+00> : vector<16x256xf32>
      %dot_general3A_280 = tpu.matmul %add3A_271, %get3A_45, %dot_general3A_279 {dimension_numbers = #tpu.dot_dimension_numbers<[1], [0], [0], [1], [0, 0, 1, 1], [], []>, transpose_lhs_hint = false} : vector<16x128xf32>, vector<128x256xf32>, vector<16x256xf32> -> vector<16x256xf32>
      %dot_general3A_281 = arith.constant dense<0.000000e+00> : vector<16x128xf32>
      %dot_general3A_282 = tpu.matmul %add3A_271, %get3A_48, %dot_general3A_281 {dimension_numbers = #tpu.dot_dimension_numbers<[1], [0], [0], [1], [0, 0, 1, 1], [], []>, transpose_lhs_hint = false} : vector<16x128xf32>, vector<128x128xf32>, vector<16x128xf32> -> vector<16x128xf32>
      %slice3A_283 = vector.extract_strided_slice %get3A_278 {offsets = [0, 0], sizes = [16, 128], strides = [1, 1]} : vector<16x384xf32> to vector<16x128xf32>
      %slice3A_284 = vector.extract_strided_slice %dot_general3A_280 {offsets = [0, 0], sizes = [16, 128], strides = [1, 1]} : vector<16x256xf32> to vector<16x128xf32>
      %add3A_285 = arith.addf %slice3A_283, %slice3A_284 : vector<16x128xf32>
      %mul3A_286 = arith.constant 5.000000e-01 : f32
      %mul3A_287 = vector.broadcast %mul3A_286 : f32 to vector<16x128xf32>
      %mul3A_288 = arith.mulf %mul3A_287, %add3A_285 : vector<16x128xf32>
      %tanh3A_289 = math.tanh %mul3A_288 : vector<16x128xf32>
      %mul3A_290 = arith.constant 5.000000e-01 : f32
      %mul3A_291 = vector.broadcast %mul3A_290 : f32 to vector<16x128xf32>
      %mul3A_292 = arith.mulf %mul3A_291, %tanh3A_289 : vector<16x128xf32>
      %add3A_293 = arith.constant 5.000000e-01 : f32
      %add3A_294 = vector.broadcast %add3A_293 : f32 to vector<16x128xf32>
      %add3A_295 = arith.addf %mul3A_292, %add3A_294 : vector<16x128xf32>
      %slice3A_296 = vector.extract_strided_slice %get3A_278 {offsets = [0, 128], sizes = [16, 128], strides = [1, 1]} : vector<16x384xf32> to vector<16x128xf32>
      %slice3A_297 = vector.extract_strided_slice %dot_general3A_280 {offsets = [0, 128], sizes = [16, 128], strides = [1, 1]} : vector<16x256xf32> to vector<16x128xf32>
      %add3A_298 = arith.addf %slice3A_296, %slice3A_297 : vector<16x128xf32>
      %mul3A_299 = arith.constant 5.000000e-01 : f32
      %mul3A_300 = vector.broadcast %mul3A_299 : f32 to vector<16x128xf32>
      %mul3A_301 = arith.mulf %mul3A_300, %add3A_298 : vector<16x128xf32>
      %tanh3A_302 = math.tanh %mul3A_301 : vector<16x128xf32>
      %mul3A_303 = arith.constant 5.000000e-01 : f32
      %mul3A_304 = vector.broadcast %mul3A_303 : f32 to vector<16x128xf32>
      %mul3A_305 = arith.mulf %mul3A_304, %tanh3A_302 : vector<16x128xf32>
      %add3A_306 = arith.constant 5.000000e-01 : f32
      %add3A_307 = vector.broadcast %add3A_306 : f32 to vector<16x128xf32>
      %add3A_308 = arith.addf %mul3A_305, %add3A_307 : vector<16x128xf32>
      %mul3A_309 = arith.constant 5.000000e-01 : f32
      %mul3A_310 = vector.broadcast %mul3A_309 : f32 to vector<16x128xf32>
      %mul3A_311 = arith.mulf %mul3A_310, %tanh3A_302 : vector<16x128xf32>
      %sub3A_312 = arith.constant 5.000000e-01 : f32
      %sub3A_313 = vector.broadcast %sub3A_312 : f32 to vector<16x128xf32>
      %sub3A_314 = arith.subf %sub3A_313, %mul3A_311 : vector<16x128xf32>
      %slice3A_315 = vector.extract_strided_slice %get3A_278 {offsets = [0, 256], sizes = [16, 128], strides = [1, 1]} : vector<16x384xf32> to vector<16x128xf32>
      %add3A_316 = vector.broadcast %get3A_51 : vector<1x128xf32> to vector<16x128xf32>
      %add3A_317 = arith.addf %dot_general3A_282, %add3A_316 : vector<16x128xf32>
      %mul3A_318 = arith.mulf %add3A_295, %add3A_317 : vector<16x128xf32>
      %add3A_319 = arith.addf %slice3A_315, %mul3A_318 : vector<16x128xf32>
      %tanh3A_320 = math.tanh %add3A_319 : vector<16x128xf32>
      %mul3A_321 = arith.mulf %sub3A_314, %tanh3A_320 : vector<16x128xf32>
      %mul3A_322 = arith.mulf %add3A_308, %add3A_271 : vector<16x128xf32>
      %add3A_323 = arith.addf %mul3A_321, %mul3A_322 : vector<16x128xf32>
      %scan3A_324 = arith.constant 5 : i32
      %scan3A_325 = arith.addi %scan3A_68, %scan3A_324 : i32
      %get3A_326 = arith.index_cast %scan3A_325 : i32 to index
      %get3A_327 = arith.constant 0 : index
      %get3A_328 = arith.constant 0 : index
      %get3A_329 = vector.load %arg10[%get3A_326, %get3A_327, %get3A_328] : memref<512x16x384xf32, #tpu.memory_space<vmem>>, vector<1x16x384xf32>
      %get3A_330 = vector.shape_cast %get3A_329 : vector<1x16x384xf32> to vector<16x384xf32>
      %dot_general3A_331 = arith.constant dense<0.000000e+00> : vector<16x256xf32>
      %dot_general3A_332 = tpu.matmul %add3A_323, %get3A_45, %dot_general3A_331 {dimension_numbers = #tpu.dot_dimension_numbers<[1], [0], [0], [1], [0, 0, 1, 1], [], []>, transpose_lhs_hint = false} : vector<16x128xf32>, vector<128x256xf32>, vector<16x256xf32> -> vector<16x256xf32>
      %dot_general3A_333 = arith.constant dense<0.000000e+00> : vector<16x128xf32>
      %dot_general3A_334 = tpu.matmul %add3A_323, %get3A_48, %dot_general3A_333 {dimension_numbers = #tpu.dot_dimension_numbers<[1], [0], [0], [1], [0, 0, 1, 1], [], []>, transpose_lhs_hint = false} : vector<16x128xf32>, vector<128x128xf32>, vector<16x128xf32> -> vector<16x128xf32>
      %slice3A_335 = vector.extract_strided_slice %get3A_330 {offsets = [0, 0], sizes = [16, 128], strides = [1, 1]} : vector<16x384xf32> to vector<16x128xf32>
      %slice3A_336 = vector.extract_strided_slice %dot_general3A_332 {offsets = [0, 0], sizes = [16, 128], strides = [1, 1]} : vector<16x256xf32> to vector<16x128xf32>
      %add3A_337 = arith.addf %slice3A_335, %slice3A_336 : vector<16x128xf32>
      %mul3A_338 = arith.constant 5.000000e-01 : f32
      %mul3A_339 = vector.broadcast %mul3A_338 : f32 to vector<16x128xf32>
      %mul3A_340 = arith.mulf %mul3A_339, %add3A_337 : vector<16x128xf32>
      %tanh3A_341 = math.tanh %mul3A_340 : vector<16x128xf32>
      %mul3A_342 = arith.constant 5.000000e-01 : f32
      %mul3A_343 = vector.broadcast %mul3A_342 : f32 to vector<16x128xf32>
      %mul3A_344 = arith.mulf %mul3A_343, %tanh3A_341 : vector<16x128xf32>
      %add3A_345 = arith.constant 5.000000e-01 : f32
      %add3A_346 = vector.broadcast %add3A_345 : f32 to vector<16x128xf32>
      %add3A_347 = arith.addf %mul3A_344, %add3A_346 : vector<16x128xf32>
      %slice3A_348 = vector.extract_strided_slice %get3A_330 {offsets = [0, 128], sizes = [16, 128], strides = [1, 1]} : vector<16x384xf32> to vector<16x128xf32>
      %slice3A_349 = vector.extract_strided_slice %dot_general3A_332 {offsets = [0, 128], sizes = [16, 128], strides = [1, 1]} : vector<16x256xf32> to vector<16x128xf32>
      %add3A_350 = arith.addf %slice3A_348, %slice3A_349 : vector<16x128xf32>
      %mul3A_351 = arith.constant 5.000000e-01 : f32
      %mul3A_352 = vector.broadcast %mul3A_351 : f32 to vector<16x128xf32>
      %mul3A_353 = arith.mulf %mul3A_352, %add3A_350 : vector<16x128xf32>
      %tanh3A_354 = math.tanh %mul3A_353 : vector<16x128xf32>
      %mul3A_355 = arith.constant 5.000000e-01 : f32
      %mul3A_356 = vector.broadcast %mul3A_355 : f32 to vector<16x128xf32>
      %mul3A_357 = arith.mulf %mul3A_356, %tanh3A_354 : vector<16x128xf32>
      %add3A_358 = arith.constant 5.000000e-01 : f32
      %add3A_359 = vector.broadcast %add3A_358 : f32 to vector<16x128xf32>
      %add3A_360 = arith.addf %mul3A_357, %add3A_359 : vector<16x128xf32>
      %mul3A_361 = arith.constant 5.000000e-01 : f32
      %mul3A_362 = vector.broadcast %mul3A_361 : f32 to vector<16x128xf32>
      %mul3A_363 = arith.mulf %mul3A_362, %tanh3A_354 : vector<16x128xf32>
      %sub3A_364 = arith.constant 5.000000e-01 : f32
      %sub3A_365 = vector.broadcast %sub3A_364 : f32 to vector<16x128xf32>
      %sub3A_366 = arith.subf %sub3A_365, %mul3A_363 : vector<16x128xf32>
      %slice3A_367 = vector.extract_strided_slice %get3A_330 {offsets = [0, 256], sizes = [16, 128], strides = [1, 1]} : vector<16x384xf32> to vector<16x128xf32>
      %add3A_368 = vector.broadcast %get3A_51 : vector<1x128xf32> to vector<16x128xf32>
      %add3A_369 = arith.addf %dot_general3A_334, %add3A_368 : vector<16x128xf32>
      %mul3A_370 = arith.mulf %add3A_347, %add3A_369 : vector<16x128xf32>
      %add3A_371 = arith.addf %slice3A_367, %mul3A_370 : vector<16x128xf32>
      %tanh3A_372 = math.tanh %add3A_371 : vector<16x128xf32>
      %mul3A_373 = arith.mulf %sub3A_366, %tanh3A_372 : vector<16x128xf32>
      %mul3A_374 = arith.mulf %add3A_360, %add3A_323 : vector<16x128xf32>
      %add3A_375 = arith.addf %mul3A_373, %mul3A_374 : vector<16x128xf32>
      %scan3A_376 = arith.constant 6 : i32
      %scan3A_377 = arith.addi %scan3A_68, %scan3A_376 : i32
      %get3A_378 = arith.index_cast %scan3A_377 : i32 to index
      %get3A_379 = arith.constant 0 : index
      %get3A_380 = arith.constant 0 : index
      %get3A_381 = vector.load %arg10[%get3A_378, %get3A_379, %get3A_380] : memref<512x16x384xf32, #tpu.memory_space<vmem>>, vector<1x16x384xf32>
      %get3A_382 = vector.shape_cast %get3A_381 : vector<1x16x384xf32> to vector<16x384xf32>
      %dot_general3A_383 = arith.constant dense<0.000000e+00> : vector<16x256xf32>
      %dot_general3A_384 = tpu.matmul %add3A_375, %get3A_45, %dot_general3A_383 {dimension_numbers = #tpu.dot_dimension_numbers<[1], [0], [0], [1], [0, 0, 1, 1], [], []>, transpose_lhs_hint = false} : vector<16x128xf32>, vector<128x256xf32>, vector<16x256xf32> -> vector<16x256xf32>
      %dot_general3A_385 = arith.constant dense<0.000000e+00> : vector<16x128xf32>
      %dot_general3A_386 = tpu.matmul %add3A_375, %get3A_48, %dot_general3A_385 {dimension_numbers = #tpu.dot_dimension_numbers<[1], [0], [0], [1], [0, 0, 1, 1], [], []>, transpose_lhs_hint = false} : vector<16x128xf32>, vector<128x128xf32>, vector<16x128xf32> -> vector<16x128xf32>
      %slice3A_387 = vector.extract_strided_slice %get3A_382 {offsets = [0, 0], sizes = [16, 128], strides = [1, 1]} : vector<16x384xf32> to vector<16x128xf32>
      %slice3A_388 = vector.extract_strided_slice %dot_general3A_384 {offsets = [0, 0], sizes = [16, 128], strides = [1, 1]} : vector<16x256xf32> to vector<16x128xf32>
      %add3A_389 = arith.addf %slice3A_387, %slice3A_388 : vector<16x128xf32>
      %mul3A_390 = arith.constant 5.000000e-01 : f32
      %mul3A_391 = vector.broadcast %mul3A_390 : f32 to vector<16x128xf32>
      %mul3A_392 = arith.mulf %mul3A_391, %add3A_389 : vector<16x128xf32>
      %tanh3A_393 = math.tanh %mul3A_392 : vector<16x128xf32>
      %mul3A_394 = arith.constant 5.000000e-01 : f32
      %mul3A_395 = vector.broadcast %mul3A_394 : f32 to vector<16x128xf32>
      %mul3A_396 = arith.mulf %mul3A_395, %tanh3A_393 : vector<16x128xf32>
      %add3A_397 = arith.constant 5.000000e-01 : f32
      %add3A_398 = vector.broadcast %add3A_397 : f32 to vector<16x128xf32>
      %add3A_399 = arith.addf %mul3A_396, %add3A_398 : vector<16x128xf32>
      %slice3A_400 = vector.extract_strided_slice %get3A_382 {offsets = [0, 128], sizes = [16, 128], strides = [1, 1]} : vector<16x384xf32> to vector<16x128xf32>
      %slice3A_401 = vector.extract_strided_slice %dot_general3A_384 {offsets = [0, 128], sizes = [16, 128], strides = [1, 1]} : vector<16x256xf32> to vector<16x128xf32>
      %add3A_402 = arith.addf %slice3A_400, %slice3A_401 : vector<16x128xf32>
      %mul3A_403 = arith.constant 5.000000e-01 : f32
      %mul3A_404 = vector.broadcast %mul3A_403 : f32 to vector<16x128xf32>
      %mul3A_405 = arith.mulf %mul3A_404, %add3A_402 : vector<16x128xf32>
      %tanh3A_406 = math.tanh %mul3A_405 : vector<16x128xf32>
      %mul3A_407 = arith.constant 5.000000e-01 : f32
      %mul3A_408 = vector.broadcast %mul3A_407 : f32 to vector<16x128xf32>
      %mul3A_409 = arith.mulf %mul3A_408, %tanh3A_406 : vector<16x128xf32>
      %add3A_410 = arith.constant 5.000000e-01 : f32
      %add3A_411 = vector.broadcast %add3A_410 : f32 to vector<16x128xf32>
      %add3A_412 = arith.addf %mul3A_409, %add3A_411 : vector<16x128xf32>
      %mul3A_413 = arith.constant 5.000000e-01 : f32
      %mul3A_414 = vector.broadcast %mul3A_413 : f32 to vector<16x128xf32>
      %mul3A_415 = arith.mulf %mul3A_414, %tanh3A_406 : vector<16x128xf32>
      %sub3A_416 = arith.constant 5.000000e-01 : f32
      %sub3A_417 = vector.broadcast %sub3A_416 : f32 to vector<16x128xf32>
      %sub3A_418 = arith.subf %sub3A_417, %mul3A_415 : vector<16x128xf32>
      %slice3A_419 = vector.extract_strided_slice %get3A_382 {offsets = [0, 256], sizes = [16, 128], strides = [1, 1]} : vector<16x384xf32> to vector<16x128xf32>
      %add3A_420 = vector.broadcast %get3A_51 : vector<1x128xf32> to vector<16x128xf32>
      %add3A_421 = arith.addf %dot_general3A_386, %add3A_420 : vector<16x128xf32>
      %mul3A_422 = arith.mulf %add3A_399, %add3A_421 : vector<16x128xf32>
      %add3A_423 = arith.addf %slice3A_419, %mul3A_422 : vector<16x128xf32>
      %tanh3A_424 = math.tanh %add3A_423 : vector<16x128xf32>
      %mul3A_425 = arith.mulf %sub3A_418, %tanh3A_424 : vector<16x128xf32>
      %mul3A_426 = arith.mulf %add3A_412, %add3A_375 : vector<16x128xf32>
      %add3A_427 = arith.addf %mul3A_425, %mul3A_426 : vector<16x128xf32>
      %scan3A_428 = arith.constant 7 : i32
      %scan3A_429 = arith.addi %scan3A_68, %scan3A_428 : i32
      %get3A_430 = arith.index_cast %scan3A_429 : i32 to index
      %get3A_431 = arith.constant 0 : index
      %get3A_432 = arith.constant 0 : index
      %get3A_433 = vector.load %arg10[%get3A_430, %get3A_431, %get3A_432] : memref<512x16x384xf32, #tpu.memory_space<vmem>>, vector<1x16x384xf32>
      %get3A_434 = vector.shape_cast %get3A_433 : vector<1x16x384xf32> to vector<16x384xf32>
      %dot_general3A_435 = arith.constant dense<0.000000e+00> : vector<16x256xf32>
      %dot_general3A_436 = tpu.matmul %add3A_427, %get3A_45, %dot_general3A_435 {dimension_numbers = #tpu.dot_dimension_numbers<[1], [0], [0], [1], [0, 0, 1, 1], [], []>, transpose_lhs_hint = false} : vector<16x128xf32>, vector<128x256xf32>, vector<16x256xf32> -> vector<16x256xf32>
      %dot_general3A_437 = arith.constant dense<0.000000e+00> : vector<16x128xf32>
      %dot_general3A_438 = tpu.matmul %add3A_427, %get3A_48, %dot_general3A_437 {dimension_numbers = #tpu.dot_dimension_numbers<[1], [0], [0], [1], [0, 0, 1, 1], [], []>, transpose_lhs_hint = false} : vector<16x128xf32>, vector<128x128xf32>, vector<16x128xf32> -> vector<16x128xf32>
      %slice3A_439 = vector.extract_strided_slice %get3A_434 {offsets = [0, 0], sizes = [16, 128], strides = [1, 1]} : vector<16x384xf32> to vector<16x128xf32>
      %slice3A_440 = vector.extract_strided_slice %dot_general3A_436 {offsets = [0, 0], sizes = [16, 128], strides = [1, 1]} : vector<16x256xf32> to vector<16x128xf32>
      %add3A_441 = arith.addf %slice3A_439, %slice3A_440 : vector<16x128xf32>
      %mul3A_442 = arith.constant 5.000000e-01 : f32
      %mul3A_443 = vector.broadcast %mul3A_442 : f32 to vector<16x128xf32>
      %mul3A_444 = arith.mulf %mul3A_443, %add3A_441 : vector<16x128xf32>
      %tanh3A_445 = math.tanh %mul3A_444 : vector<16x128xf32>
      %mul3A_446 = arith.constant 5.000000e-01 : f32
      %mul3A_447 = vector.broadcast %mul3A_446 : f32 to vector<16x128xf32>
      %mul3A_448 = arith.mulf %mul3A_447, %tanh3A_445 : vector<16x128xf32>
      %add3A_449 = arith.constant 5.000000e-01 : f32
      %add3A_450 = vector.broadcast %add3A_449 : f32 to vector<16x128xf32>
      %add3A_451 = arith.addf %mul3A_448, %add3A_450 : vector<16x128xf32>
      %slice3A_452 = vector.extract_strided_slice %get3A_434 {offsets = [0, 128], sizes = [16, 128], strides = [1, 1]} : vector<16x384xf32> to vector<16x128xf32>
      %slice3A_453 = vector.extract_strided_slice %dot_general3A_436 {offsets = [0, 128], sizes = [16, 128], strides = [1, 1]} : vector<16x256xf32> to vector<16x128xf32>
      %add3A_454 = arith.addf %slice3A_452, %slice3A_453 : vector<16x128xf32>
      %mul3A_455 = arith.constant 5.000000e-01 : f32
      %mul3A_456 = vector.broadcast %mul3A_455 : f32 to vector<16x128xf32>
      %mul3A_457 = arith.mulf %mul3A_456, %add3A_454 : vector<16x128xf32>
      %tanh3A_458 = math.tanh %mul3A_457 : vector<16x128xf32>
      %mul3A_459 = arith.constant 5.000000e-01 : f32
      %mul3A_460 = vector.broadcast %mul3A_459 : f32 to vector<16x128xf32>
      %mul3A_461 = arith.mulf %mul3A_460, %tanh3A_458 : vector<16x128xf32>
      %add3A_462 = arith.constant 5.000000e-01 : f32
      %add3A_463 = vector.broadcast %add3A_462 : f32 to vector<16x128xf32>
      %add3A_464 = arith.addf %mul3A_461, %add3A_463 : vector<16x128xf32>
      %mul3A_465 = arith.constant 5.000000e-01 : f32
      %mul3A_466 = vector.broadcast %mul3A_465 : f32 to vector<16x128xf32>
      %mul3A_467 = arith.mulf %mul3A_466, %tanh3A_458 : vector<16x128xf32>
      %sub3A_468 = arith.constant 5.000000e-01 : f32
      %sub3A_469 = vector.broadcast %sub3A_468 : f32 to vector<16x128xf32>
      %sub3A_470 = arith.subf %sub3A_469, %mul3A_467 : vector<16x128xf32>
      %slice3A_471 = vector.extract_strided_slice %get3A_434 {offsets = [0, 256], sizes = [16, 128], strides = [1, 1]} : vector<16x384xf32> to vector<16x128xf32>
      %add3A_472 = vector.broadcast %get3A_51 : vector<1x128xf32> to vector<16x128xf32>
      %add3A_473 = arith.addf %dot_general3A_438, %add3A_472 : vector<16x128xf32>
      %mul3A_474 = arith.mulf %add3A_451, %add3A_473 : vector<16x128xf32>
      %add3A_475 = arith.addf %slice3A_471, %mul3A_474 : vector<16x128xf32>
      %tanh3A_476 = math.tanh %add3A_475 : vector<16x128xf32>
      %mul3A_477 = arith.mulf %sub3A_470, %tanh3A_476 : vector<16x128xf32>
      %mul3A_478 = arith.mulf %add3A_464, %add3A_427 : vector<16x128xf32>
      %add3A_479 = arith.addf %mul3A_477, %mul3A_478 : vector<16x128xf32>
      scf.yield %add3A_479 : vector<16x128xf32>
    }
    %scan3A_59 = arith.constant 512 : i32
    %swap3A_60 = arith.constant 0 : index
    %swap3A_61 = arith.constant 0 : index
    %swap3A_62 = vector.load %arg11[%swap3A_60, %swap3A_61] : memref<16x128xf32, #tpu.memory_space<vmem>>, vector<16x128xf32>
    tpu.vector_store %arg11[%swap3A_60, %swap3A_61], %scan3A_58 {strides = array<i32>} : memref<16x128xf32, #tpu.memory_space<vmem>>, vector<16x128xf32>,
    %eq3A_63 = arith.constant 3 : i32
    %eq3A_64 = arith.cmpi eq, %arg0, %eq3A_63 : i32
    %convert_element_type3A_65 = arith.extui %eq3A_64 : i1 to i32
    %cond3A_66 = arith.constant 0 : i32
    %cond3A_67 = arith.cmpi ne, %convert_element_type3A_65, %cond3A_66 : i32
    scf.if %cond3A_67 {
      %get3A_68 = arith.constant 0 : index
      %get3A_69 = arith.constant 0 : index
      %get3A_70 = vector.load %arg7[%get3A_68, %get3A_69] : memref<128x16xf32, #tpu.memory_space<vmem>>, vector<128x16xf32>
      %dot_general3A_71 = arith.constant dense<0.000000e+00> : vector<16x16xf32>
      %dot_general3A_72 = tpu.matmul %scan3A_58, %get3A_70, %dot_general3A_71 {dimension_numbers = #tpu.dot_dimension_numbers<[1], [0], [0], [1], [0, 0, 1, 1], [], []>, transpose_lhs_hint = false} : vector<16x128xf32>, vector<128x16xf32>, vector<16x16xf32> -> vector<16x16xf32>
      %get3A_73 = arith.constant 0 : index
      %get3A_74 = arith.constant 0 : index
      %get3A_75 = vector.load %arg8[%get3A_73, %get3A_74] : memref<1x16xf32, #tpu.memory_space<vmem>>, vector<1x16xf32>
      %add3A_76 = vector.broadcast %get3A_75 : vector<1x16xf32> to vector<16x16xf32>
      %add3A_77 = arith.addf %dot_general3A_72, %add3A_76 : vector<16x16xf32>
      %reduce_max3A_78 = arith.constant dense<0xFF800000> : vector<16xf32>
      %reduce_max3A_79 = vector.multi_reduction <maximumf>, %add3A_77, %reduce_max3A_78 [1] : vector<16x16xf32> to vector<16xf32>
      %broadcast_in_dim3A = vector.shape_cast %reduce_max3A_79 : vector<16xf32> to vector<16x1xf32>
      %sub3A = vector.broadcast %broadcast_in_dim3A : vector<16x1xf32> to vector<16x16xf32>
      %sub3A_80 = arith.subf %add3A_77, %sub3A : vector<16x16xf32>
      %exp3A = math.exp %sub3A_80 : vector<16x16xf32>
      %reduce_sum3A = arith.constant dense<0.000000e+00> : vector<16xf32>
      %reduce_sum3A_81 = vector.multi_reduction <add>, %exp3A, %reduce_sum3A [1] : vector<16x16xf32> to vector<16xf32>
      %broadcast_in_dim3A_82 = vector.shape_cast %reduce_sum3A_81 : vector<16xf32> to vector<16x1xf32>
      %div3A = vector.broadcast %broadcast_in_dim3A_82 : vector<16x1xf32> to vector<16x16xf32>
      %div3A_83 = arith.divf %exp3A, %div3A : vector<16x16xf32>
      %swap3A_84 = arith.constant 0 : index
      %swap3A_85 = arith.constant 0 : index
      %swap3A_86 = vector.load %arg9[%swap3A_84, %swap3A_85] : memref<16x16xf32, #tpu.memory_space<vmem>>, vector<16x16xf32>
      tpu.vector_store %arg9[%swap3A_84, %swap3A_85], %div3A_83 {strides = array<i32>} : memref<16x16xf32, #tpu.memory_space<vmem>>, vector<16x16xf32>,
    } else {
    }
    return
  }
  func.func @transform_0(%arg0: i32) -> (i32, i32) {
    %c0_i32 = arith.constant 0 : i32
    %c0_i32_0 = arith.constant 0 : i32
    return %arg0, %c0_i32 : i32, i32
  }
  func.func @transform_1(%arg0: i32) -> (i32, i32, i32) {
    %c0_i32 = arith.constant 0 : i32
    %c0_i32_0 = arith.constant 0 : i32
    %c0_i32_1 = arith.constant 0 : i32
    return %arg0, %c0_i32, %c0_i32_0 : i32, i32, i32
  }
  func.func @transform_2(%arg0: i32) -> (i32, i32) {
    %c0_i32 = arith.constant 0 : i32
    %c0_i32_0 = arith.constant 0 : i32
    %c0_i32_1 = arith.constant 0 : i32
    return %c0_i32, %c0_i32_0 : i32, i32
  }
  func.func @transform_3(%arg0: i32) -> (i32, i32) {
    %c0_i32 = arith.constant 0 : i32
    %c0_i32_0 = arith.constant 0 : i32
    %c0_i32_1 = arith.constant 0 : i32
    return %c0_i32, %c0_i32_0 : i32, i32
  }
  func.func @transform_4(%arg0: i32) -> (i32, i32) {
    %c0_i32 = arith.constant 0 : i32
    %c0_i32_0 = arith.constant 0 : i32
    %c0_i32_1 = arith.constant 0 : i32
    return %c0_i32, %c0_i32_0 : i32, i32
  }
  func.func @transform_5(%arg0: i32) -> (i32, i32) {
    %c0_i32 = arith.constant 0 : i32
    %c0_i32_0 = arith.constant 0 : i32
    %c0_i32_1 = arith.constant 0 : i32
    return %c0_i32, %c0_i32_0 : i32, i32
  }
  func.func @transform_6(%arg0: i32) -> (i32, i32) {
    %c0_i32 = arith.constant 0 : i32
    %c0_i32_0 = arith.constant 0 : i32
    %c0_i32_1 = arith.constant 0 : i32
    return %c0_i32, %c0_i32_0 : i32, i32
  }
  func.func @transform_7(%arg0: i32) -> (i32, i32) {
    %c0_i32 = arith.constant 0 : i32
    %c0_i32_0 = arith.constant 0 : i32
    %c0_i32_1 = arith.constant 0 : i32
    return %c0_i32, %c0_i32_0 : i32, i32
  }
  func.func @transform_8(%arg0: i32) -> (i32, i32) {
    %c0_i32 = arith.constant 0 : i32
    %c0_i32_0 = arith.constant 0 : i32
    %c0_i32_1 = arith.constant 0 : i32
    return %c0_i32, %c0_i32_0 : i32, i32
  }
}

</mosaic_0001>

<sc_bundles>
// kernel: kernel.4.cloned.1.call-start
scs
__scs_entry_jumppad:
0x0: {  	(pc) =	sbr.rel $0x88, $3  }
0x1: {  	(tag) =	ssettag $0x0;
	lr =	simm.s32 $0x1  }
0x2: {  	[smem:$0x3F99] =	sst lr;
	_ =	strace $0xD0000000  }
0x3: {  	_ = 	snop  }
0x4: {  	_ = 	snop  }
0x5: {  	_ = 	snop  }
0x6: {  	_ = 	snop  }
0x7: {  	_ = 	snop  }
__scs_overlays_trampoline_lowered:
0x8: {  	[smem:$0x3FA8] =	sst s0  }
0x9: {  	[smem:$0x3FA9] =	sst s1  }
0xa: {  	[smem:$0x3FAA] =	sst s2  }
0xb: {  	[smem:$0x3FAB] =	sst s3  }
0xc: {  	[smem:$0x3FAC] =	sst s4  }
0xd: {  	[smem:$0x3FAD] =	sst s5  }
0xe: {  	[smem:$0x3FAE] =	sst s6  }
0xf: {  	[smem:$0x3FAF] =	sst s7  }
0x10: {  	[smem:$0x3FB0] =	sst s8  }
0x11: {  	[smem:$0x3FB1] =	sst s9;
	s0 =	simm.s32 @!p0 $0x0  }
0x12: {  	s1 =	sld [smem:$0x3F97];
	s0 =	simm.s32 @p0 $0x1  }
0x13: {  	[smem:$0x3FB2] =	sst s0;
	s0 =	simm.s32 @!p1 $0x0  }
0x14: {  	s2 =	sld [smem:$0x3F96];
	s0 =	simm.s32 @p1 $0x1  }
0x15: {  	[smem:$0x3FB3] =	sst s0;
	s0 =	simm.s32 @!p2 $0x0  }
0x16: {  	s3 =	sld [smem:$0x3FDB];
	s0 =	simm.s32 @p2 $0x1  }
0x17: {  	s4 =	simm.s32 $0x1BF5;
	[smem:$0x3FB5] =	sst s0  }
0x18: {  	s0 =	sld [smem:$0x3F98];
	_ =	swait.ge [sflag:s4], $0x0  }
0x19: {  	s7 =	sld [smem:$0x3F99]  }
0x1a: {  	s8 =	sadd.s32 $0xFFFFE003, lr  }
0x1b: {  	s9 =	sadd.s32 $0xFFFFFEF7, lr;
	s5 =	simm.s32 $0xFFFFFFFF;
	p2 =	slt.u32 s8, $0xFFFFF086  }
0x1c: {  	p1 =	slt.u32 s9, $0xF7A;
	s5 =	simm.s32 @!p2 $0x0  }
0x1d: {  	s5 =	simm.s32 @p1 $0x1;
	p0 =	seq.s32 s7, s2  }
0x1e: {  	s7 =	smul.u32 @!p0 $0xF7A, s2;
	p2 =	seq.s32 @!p0 s5, $0x0  }
0x1f: {  	s9 =	smul.u32 $0xF7A, s1;
	s8 =	simm.s32 @!p0 $0x1BF5;
	p2 =	por !p2, p0  }
0x20: {  	[sflag:s8] =	ssyncset.s32 @!p0 $0xFFFFF086;
	s6 =	sadd.s32 @!p0 s3, s7;
	s7 =	simm.s32 @!p0 $0x108  }
0x21: {  	s3 =	sadd.s32 s3, s9;
	s6 =	sadd.s32 @!p0 $0x88, s6;
	s7 =	simm.s32 @p2 $0x1082  }
0x22: {  	[simem:s7], [sflag:s8] =	dma.local @!p0 [hbm:s6], $0xF7A  }
0x23: {  	s9 =	sor.u32 $0xD0000000, s2;
	s6 =	simm.s32 $0x108;
	_ =	swait.ge @!p0 [sflag:s8], $0x0  }
0x24: {  	s3 =	sadd.s32 $0x88, s3;
	s6 =	simm.s32 @!p1 $0x1082;
	[sflag:s4] =	ssyncset.s32 $0xFFFFF086  }
0x25: {  	[simem:s6], [sflag:s4] =	dma.local [hbm:s3], $0xF7A  }
0x26: {  	[smem:$0x3F99] =	sst s1;
	(tag) =	ssettag s2;
	_ =	strace s9  }
0x27: {  	s1 =	sld [smem:$0x3FA9]  }
0x28: {  	s2 =	sld [smem:$0x3FAA]  }
0x29: {  	s4 =	sld [smem:$0x3FAC]  }
0x2a: {  	p0 =	seq.s32 s5, $0x0;
	s5 =	sld [smem:$0x3FAD]  }
0x2b: {  	s6 =	sld [smem:$0x3FAE]  }
0x2c: {  	s7 =	sld [smem:$0x3FAF]  }
0x2d: {  	s3 =	simm.s32 $0x108;
	s8 =	sld [smem:$0x3FB0]  }
0x2e: {  	s3 =	simm.s32 @!p0 $0x1082;
	s9 =	sld [smem:$0x3FB1]  }
0x2f: {  	lr =	sadd.s32 s0, s3;
	s0 =	sld [smem:$0x3FA8]  }
0x30: {  	s3 =	sld [smem:$0x3FAB]  }
0x31: {  	[smem:$0x3FB4] =	sst s10  }
0x32: {  	s10 =	sld [smem:$0x3FB2];
	_ =	sdelay $0x3  }
0x33: {  	p0 =	seq.s32 s10, $0x1;
	s10 =	sld [smem:$0x3FB4];
	_ =	sdelay $0x3  }
0x34: {  	[smem:$0x3FB4] =	sst s10  }
0x35: {  	s10 =	sld [smem:$0x3FB3];
	_ =	sdelay $0x3  }
0x36: {  	p1 =	seq.s32 s10, $0x1;
	s10 =	sld [smem:$0x3FB4];
	_ =	sdelay $0x3  }
0x37: {  	[smem:$0x3FB4] =	sst s10  }
0x38: {  	s10 =	sld [smem:$0x3FB5]  }
0x39: {  	_ = 	snop;
	(pc) =	sbr.ind lr, $3  }
0x3a: {  	_ = 	snop  }
0x3b: {  	_ = 	snop  }
0x3c: {  	p2 =	seq.s32 s10, $0x1;
	s10 =	sld [smem:$0x3FB4]  }
0x3d: {  	_ =	shalt  }
0x3e: {  	_ =	shalt  }
0x3f: {  	_ =	shalt  }
0x40: {  	_ =	shalt  }
0x41: {  	_ =	shalt  }
0x42: {  	_ =	shalt  }
0x43: {  	_ =	shalt  }
0x44: {  	_ =	shalt  }
0x45: {  	_ =	shalt  }
0x46: {  	_ =	shalt  }
0x47: {  	_ =	shalt  }
0x48: {  	_ =	shalt  }
0x49: {  	_ =	shalt  }
0x4a: {  	_ =	shalt  }
0x4b: {  	_ =	shalt  }
0x4c: {  	_ =	shalt  }
0x4d: {  	_ =	shalt  }
0x4e: {  	_ =	shalt  }
0x4f: {  	_ =	shalt  }
0x50: {  	_ =	shalt  }
0x51: {  	_ =	shalt  }
0x52: {  	_ =	shalt  }
0x53: {  	_ =	shalt  }
0x54: {  	_ =	shalt  }
0x55: {  	_ =	shalt  }
0x56: {  	_ =	shalt  }
0x57: {  	_ =	shalt  }
0x58: {  	_ =	shalt  }
0x59: {  	_ =	shalt  }
0x5a: {  	_ =	shalt  }
0x5b: {  	_ =	shalt  }
0x5c: {  	_ =	shalt  }
0x5d: {  	_ =	shalt  }
0x5e: {  	_ =	shalt  }
0x5f: {  	_ =	shalt  }
0x60: {  	_ =	shalt  }
0x61: {  	_ =	shalt  }
0x62: {  	_ =	shalt  }
0x63: {  	_ =	shalt  }
0x64: {  	_ =	shalt  }
0x65: {  	_ =	shalt  }
0x66: {  	_ =	shalt  }
0x67: {  	_ =	shalt  }
0x68: {  	_ =	shalt  }
0x69: {  	_ =	shalt  }
0x6a: {  	_ =	shalt  }
0x6b: {  	_ =	shalt  }
0x6c: {  	_ =	shalt  }
0x6d: {  	_ =	shalt  }
0x6e: {  	_ =	shalt  }
0x6f: {  	_ =	shalt  }
0x70: {  	_ =	shalt  }
0x71: {  	_ =	shalt  }
0x72: {  	_ =	shalt  }
0x73: {  	_ =	shalt  }
0x74: {  	_ =	shalt  }
0x75: {  	_ =	shalt  }
0x76: {  	_ =	shalt  }
0x77: {  	_ =	shalt  }
0x78: {  	_ =	shalt  }
0x79: {  	_ =	shalt  }
0x7a: {  	_ =	shalt  }
0x7b: {  	_ =	shalt  }
0x7c: {  	_ =	shalt  }
0x7d: {  	_ =	shalt  }
0x7e: {  	_ =	shalt  }
0x7f: {  	_ =	shalt  }
0x80: {  	_ =	shalt  }
0x81: {  	_ =	shalt  }
0x82: {  	_ =	shalt  }
0x83: {  	_ =	shalt  }
0x84: {  	_ =	shalt  }
0x85: {  	_ =	shalt  }
0x86: {  	_ =	shalt  }
0x87: {  	_ =	shalt  }
.Lfunc_end0:
.L_simem_size_0:
called_computation_lowered:
.L_overlay_start_0:
0x88: {  	s2 =	sld [smem:$0x3FD9]  }
0x89: {  	s3 =	sld [smem:$0x3FFE];
	_ =	sdelay $0x1  }
0x8a: {  	s1 =	srdreg.scid  }
0x8b: {  	s0 =	sand.u32 $0x1, s1  }
0x8c: {  	s17 =	sshll.u32 s0, $0xA;
	s2 =	sadd.s32 s3, s2  }
0x8d: {  	s2 =	sadd.s32 s2, s17  }
0x8e: {  	[smem:$0x3FC0] =	sst s2  }
0x8f: {  	_ = 	snop  }
0x90: {  	s2 =	sld [smem:$0x3FC8];
	(tm) =	ssettm $0x1  }
0x91: {  	s18 =	sld [smem:$0x3FFB];
	_ =	sdelay $0x3  }
0x92: {  	_ =	strace s18  }
0x93: {  	s3 =	sld [smem:$0x3FFC];
	_ =	sdelay $0x3  }
0x94: {  	_ =	strace s3  }
0x95: {  	s3 =	sld [smem:$0x3FFD];
	_ =	sdelay $0x3  }
0x96: {  	_ =	strace s3  }
0x97: {  	_ =	strace $0x8FFFFFFF  }
0x98: {  	s19 =	sld [smem:$0x3FDB];
	_ =	sdelay $0x1  }
0x99: {  	s4 =	simm.s32 $_scs_section_size  }
0x9a: {  	s5 =	simm.s32 $_size__tile_overlayer_lowered;
	s6 =	simm.s32 $_tile_overlayer_lowered  }
0x9b: {  	s22 =	simm.s32 $0x1BFF;
	s21 =	sshll.u32 s6, $0x1;
	s3 =	sadd.s32 s4, s19  }
0x9c: {  	s7 =	simm.s32 $0x0;
	s20 =	sshll.u32 s5, $0x1;
	s5 =	sadd.s32 s21, s3  }
0x9d: {  	[timem:s7], [sflag:s22] =	dma.local [hbm:s5], s20  }
0x9e: {  	_ =	swait.ge [sflag:s22], s20  }
0x9f: {  	s4 =	ssub.s32 $0x0, s20;
	[sflag:s22] =	ssyncset.done $0x0  }
0xa0: {  	[sflag:s22] =	ssyncadd.s32 s4;
	_ =	sdelay $0x1  }
0xa1: {  	s23 =	simm.s32 $0x1B8B  }
0xa2: {  	_ =	swait.ge [sflag:s23], $0x1  }
0xa3: {  	[sflag:s23] =	ssyncset.done $0x0  }
0xa4: {  	s25 =	simm.s32 $0x1B8E;
	s24 =	sld [smem:$0x3FFE];
	[sflag:s23] =	ssyncadd.s32 $0xFFFFFFFF  }
0xa5: {  	s26 =	simm.s32 $execute0_lowered;
	[smem:$0x3FD2] =	sst s25  }
0xa6: {  	s5 =	sshll.u32 s26, $0x1;
	_ =	strace $0x80000046;
	[dreg:$0x1] =	wrdreg $0xFFFFFFFF  }
0xa7: {  	s28 =	simm.s32 $_size_execute0_lowered;
	s3 =	sadd.s32 s3, s5;
	[dreg:$0x0] =	wrdreg $0x0  }
0xa8: {  	s5 =	sshll.u32 s28, $0x1;
	[dreg:$0x2] =	wrdreg s3  }
0xa9: {  	[dreg:$0x3] =	wrdreg s5  }
0xaa: {  	[dreg:$0x4] =	wrdreg $0xC0  }
0xab: {  	_ =	task [dreg:s7], $0x5FFFF  }
0xac: {  	[dreg:$0x1] =	wrdreg $0xFFFFFFFF  }
0xad: {  	[dreg:$0x0] =	wrdreg $0x60  }
0xae: {  	[dreg:$0x2] =	wrdreg s2  }
0xaf: {  	[dreg:$0x3] =	wrdreg s24  }
0xb0: {  	[dreg:$0x4] =	wrdreg $0x9  }
0xb1: {  	_ =	task.clear_ibuf [dreg:s7], $0x5FFFF;
	_ =	strace $0x90000046  }
0xb2: {  	s29 =	simm.s32 $0x9;
	_ =	strace $0x80000048  }
0xb3: {  	_ =	swait.ge [sflag:s29], $0x1  }
0xb4: {  	[sflag:s29] =	ssyncadd.s32 $0xFFFFFFFF  }
0xb5: {  	_ =	strace $0x90000048  }
0xb6: {  	_ =	sfence  }
0xb7: {  	s30 =	sld [smem:$0x0];
	_ =	sdelay $0x2  }
0xb8: {  	s31 =	sshll.u32 s1, $0xD;
	s1 =	sshrl.u32 s1, $0x2  }
0xb9: {  	s3 =	sand.u32 $0x4000, s31;
	s1 =	sadd.s32 s1, s30  }
0xba: {  	s0 =	sor.u32 s3, s0;
	s1 =	sshll.u32 s1, $0x11  }
0xbb: {  	s0 =	sor.u32 s1, s0  }
0xbc: {  	s0 =	sadd.s32 $0x8F2B, s0  }
0xbd: {  	[sflag:s0] =	ssyncadd.remote.s32 $0x1  }
0xbe: {  	_ =	sfence.sel $0xFFFF  }
0xbf: {  	[dreg:$0x0] =	wrdreg $0xFFFFFFFF;
	(pc) =	sbr.abs _section_cstart, $3  }
0xc0: {  	[dreg:$0x1] =	wrdreg $0xFFFFFFFF  }
0xc1: {  	_ =	task.clear_ibuf [dreg:s7], $0x2FFFF;
	_ =	strace $0x9FFFFFFF  }
0xc2: {  	(tm) =	ssettm $0x7FFFFFFF  }
0xc3: {  	_ =	shalt  }
tec
execute0_lowered:
.L_overlay_start_1:
0x0: {  	(tag) =	ssettag $0x1  }
0x1: {  	s1 =	srdreg.scid;
	s0 =	stileid.u32  }
0x2: {  	s26 =	sand.u32 $0x1, s1;
	s31 =	sshll.u32 s0, $0x1  }
0x3: {  	s2 =	rddreg [dreg:$0x0];
	s10 =	sor.u32 s26, s31  }
0x4: {  	s9 =	rddreg [dreg:$0x1];
	s3 =	simm.s32 $0x0;
	s4 =	sshll.u32 s10, $0x7  }
0x5: {  	s5 =	simm.s32 $0x5;
	[smem:$0x7FF] =	sst s3;
	s4 =	sadd.s32 s4, s9  }
0x6: {  	s1 =	rddreg [dreg:$0x2];
	_ =	strace $0x80000047;
	s4 =	sadd.s32 $0x200, s4  }
0x7: {  	[tilespmem:s3], [sflag:$0x5] =	stream.linear.gather [hbm4b:s4+s3], $0x400, $0x38;
	[tilespmem:$0x8400] =	vst v63  }
0x8: {  	_ =	swait.ge [sflag:s5], $0x400  }
0x9: {  	s6 =	simm.s32 $0x80;
	[sflag:s5] =	ssyncset.done $0x0  }
0xa: {  	s7 =	simm.s32 $0x400;
	s8 =	simm.s32 $0x1;
	[sflag:s5] =	ssyncadd.s32 $0xFFFFFC00  }
0xb: {  	[tilespmem:s7], [sflag:$0x1] =	stream.indirect.gather [hbm4b:s2+s6], $0x80, s3, s6, $0xb8;
	[tilespmem:$0x8400] =	vst v63  }
0xc: {  	_ =	swait.ge [sflag:s8], $0x4000  }
0xd: {  	s10 =	sshll.u32 s10, $0xE;
	[sflag:s8] =	ssyncset.done $0x0  }
0xe: {  	s28 =	sadd.s32 s10, s9;
	s9 =	simm.s32 $0x4400;
	[sflag:s8] =	ssyncadd.s32 $0xFFFFC000  }
0xf: {  	[tilespmem:s9], [sflag:$0x2] =	stream.indirect.gather [hbm4b:s2+s6], $0x80, s6, s6, $0xb8;
	[tilespmem:$0x8400] =	vst v63  }
0x10: {  	s11 =	simm.s32 $0x2;
	s10 =	sadd.s32 $0x1200, s28  }
0x11: {  	[hbm4b:s10+s3] =	stream.linear.scatter [tilespmem:s7], [sflag:$0x3], $0x4000, $0x38;
	[tilespmem:$0x8400] =	vst v63  }
0x12: {  	_ =	swait.ge [sflag:s11], $0x4000  }
0x13: {  	[sflag:s11] =	ssyncset.done $0x0  }
0x14: {  	s12 =	simm.s32 $0x3;
	[sflag:s11] =	ssyncadd.s32 $0xFFFFC000  }
0x15: {  	_ =	swait.ge [sflag:s12], $0x4000  }
0x16: {  	[sflag:s12] =	ssyncset.done $0x0  }
0x17: {  	s13 =	simm.s32 $0x100;
	[sflag:s12] =	ssyncadd.s32 $0xFFFFC000  }
0x18: {  	[tilespmem:s7], [sflag:$0x1] =	stream.indirect.gather [hbm4b:s2+s6], $0x80, s13, s6, $0xb8;
	[tilespmem:$0x8400] =	vst v63  }
0x19: {  	s14 =	sadd.s32 $0x1A00, s28  }
0x1a: {  	[hbm4b:s14+s3] =	stream.linear.scatter [tilespmem:s9], [sflag:$0x4], $0x4000, $0x38;
	[tilespmem:$0x8400] =	vst v63  }
0x1b: {  	_ =	swait.ge [sflag:s8], $0x4000  }
0x1c: {  	[sflag:s8] =	ssyncset.done $0x0  }
0x1d: {  	s15 =	simm.s32 $0x4;
	[sflag:s8] =	ssyncadd.s32 $0xFFFFC000  }
0x1e: {  	_ =	swait.ge [sflag:s15], $0x4000  }
0x1f: {  	[sflag:s15] =	ssyncset.done $0x0  }
0x20: {  	s16 =	simm.s32 $0x180;
	[sflag:s15] =	ssyncadd.s32 $0xFFFFC000  }
0x21: {  	[tilespmem:s9], [sflag:$0x2] =	stream.indirect.gather [hbm4b:s2+s6], $0x80, s16, s6, $0xb8;
	[tilespmem:$0x8400] =	vst v63  }
0x22: {  	s17 =	sadd.s32 $0x2200, s28  }
0x23: {  	[hbm4b:s17+s3] =	stream.linear.scatter [tilespmem:s7], [sflag:$0x3], $0x4000, $0x38;
	[tilespmem:$0x8400] =	vst v63  }
0x24: {  	_ =	swait.ge [sflag:s11], $0x4000  }
0x25: {  	[sflag:s11] =	ssyncset.done $0x0  }
0x26: {  	[sflag:s11] =	ssyncadd.s32 $0xFFFFC000  }
0x27: {  	_ =	swait.ge [sflag:s12], $0x4000  }
0x28: {  	[sflag:s12] =	ssyncset.done $0x0  }
0x29: {  	s18 =	simm.s32 $0x200;
	[sflag:s12] =	ssyncadd.s32 $0xFFFFC000  }
0x2a: {  	[tilespmem:s7], [sflag:$0x1] =	stream.indirect.gather [hbm4b:s2+s6], $0x80, s18, s6, $0xb8;
	[tilespmem:$0x8400] =	vst v63  }
0x2b: {  	s19 =	sadd.s32 $0x2A00, s28  }
0x2c: {  	[hbm4b:s19+s3] =	stream.linear.scatter [tilespmem:s9], [sflag:$0x4], $0x4000, $0x38;
	[tilespmem:$0x8400] =	vst v63  }
0x2d: {  	_ =	swait.ge [sflag:s8], $0x4000  }
0x2e: {  	[sflag:s8] =	ssyncset.done $0x0  }
0x2f: {  	[sflag:s8] =	ssyncadd.s32 $0xFFFFC000  }
0x30: {  	_ =	swait.ge [sflag:s15], $0x4000  }
0x31: {  	[sflag:s15] =	ssyncset.done $0x0  }
0x32: {  	s20 =	simm.s32 $0x280;
	[sflag:s15] =	ssyncadd.s32 $0xFFFFC000  }
0x33: {  	[tilespmem:s9], [sflag:$0x2] =	stream.indirect.gather [hbm4b:s2+s6], $0x80, s20, s6, $0xb8;
	[tilespmem:$0x8400] =	vst v63  }
0x34: {  	s21 =	sadd.s32 $0x3200, s28  }
0x35: {  	[hbm4b:s21+s3] =	stream.linear.scatter [tilespmem:s7], [sflag:$0x3], $0x4000, $0x38;
	[tilespmem:$0x8400] =	vst v63  }
0x36: {  	_ =	swait.ge [sflag:s11], $0x4000  }
0x37: {  	[sflag:s11] =	ssyncset.done $0x0  }
0x38: {  	[sflag:s11] =	ssyncadd.s32 $0xFFFFC000  }
0x39: {  	_ =	swait.ge [sflag:s12], $0x4000  }
0x3a: {  	[sflag:s12] =	ssyncset.done $0x0  }
0x3b: {  	s22 =	simm.s32 $0x300;
	[sflag:s12] =	ssyncadd.s32 $0xFFFFC000  }
0x3c: {  	[tilespmem:s7], [sflag:$0x1] =	stream.indirect.gather [hbm4b:s2+s6], $0x80, s22, s6, $0xb8;
	[tilespmem:$0x8400] =	vst v63  }
0x3d: {  	s23 =	sadd.s32 $0x3A00, s28  }
0x3e: {  	[hbm4b:s23+s3] =	stream.linear.scatter [tilespmem:s9], [sflag:$0x4], $0x4000, $0x38;
	[tilespmem:$0x8400] =	vst v63  }
0x3f: {  	_ =	swait.ge [sflag:s8], $0x4000  }
0x40: {  	[sflag:s8] =	ssyncset.done $0x0  }
0x41: {  	[sflag:s8] =	ssyncadd.s32 $0xFFFFC000  }
0x42: {  	_ =	swait.ge [sflag:s15], $0x4000  }
0x43: {  	[sflag:s15] =	ssyncset.done $0x0  }
0x44: {  	s24 =	simm.s32 $0x380;
	s29 =	ssub.s32 $0x2, s26;
	[sflag:s15] =	ssyncadd.s32 $0xFFFFC000  }
0x45: {  	[tilespmem:s9], [sflag:$0x2] =	stream.indirect.gather [hbm4b:s2+s6], $0x80, s24, s6, $0xb8;
	[tilespmem:$0x8400] =	vst v63  }
0x46: {  	s25 =	sadd.s32 $0x4200, s28;
	s26 =	sadd.s32 $0x4A00, s28;
	s28 =	sshrl.u32 s29, $0x1  }
0x47: {  	[hbm4b:s25+s3] =	stream.linear.scatter [tilespmem:s7], [sflag:$0x3], $0x4000, $0x38;
	[tilespmem:$0x8400] =	vst v63  }
0x48: {  	s28 =	ssub.s32 s29, s28;
	_ =	swait.ge [sflag:s11], $0x4000  }
0x49: {  	s28 =	smax.u32 s28, $0x1;
	[sflag:s11] =	ssyncset.done $0x0  }
0x4a: {  	p0 =	sne.s32 s28, $0x1;
	[sflag:s11] =	ssyncadd.s32 $0xFFFFC000  }
0x4b: {  	[hbm4b:s26+s3] =	stream.linear.scatter [tilespmem:s9], [sflag:$0x4], $0x4000, $0x38;
	[tilespmem:$0x8400] =	vst v63  }
.Ltmp0:
0x4c: {  	_ =	swait.ge [sflag:s12], $0x4000;
	(pc) =	sbr.rel @!p0 .LBB2_2-.Ltmp0, $4  }
0x4d: {  	[sflag:s12] =	ssyncset.done $0x0  }
0x4e: {  	[sflag:s12] =	ssyncadd.s32 $0xFFFFC000  }
0x4f: {  	_ =	swait.ge [sflag:s15], $0x4000  }
0x50: {  	s28 =	sadd.s32 $0xFFFFFFFF, s28;
	[sflag:s15] =	ssyncset.done $0x0  }
.LBB2_1:
0x51: {  	p0 =	sne.s32 s28, $0x1;
	s28 =	sadd.s32 $0xFFFFFFFF, s28;
	[sflag:s15] =	ssyncadd.s32 $0xFFFFC000  }
0x52: {  	[tilespmem:s3], [sflag:$0x5] =	stream.linear.gather [hbm4b:s4+s3], $0x400, $0x38;
	[tilespmem:$0x8400] =	vst v63  }
0x53: {  	_ =	swait.ge [sflag:s5], $0x400  }
0x54: {  	[sflag:s5] =	ssyncset.done $0x0  }
0x55: {  	[sflag:s5] =	ssyncadd.s32 $0xFFFFFC00  }
0x56: {  	[tilespmem:s7], [sflag:$0x1] =	stream.indirect.gather [hbm4b:s2+s6], $0x80, s3, s6, $0xb8;
	[tilespmem:$0x8400] =	vst v63  }
0x57: {  	_ =	swait.ge [sflag:s8], $0x4000  }
0x58: {  	[sflag:s8] =	ssyncset.done $0x0  }
0x59: {  	[sflag:s8] =	ssyncadd.s32 $0xFFFFC000  }
0x5a: {  	[tilespmem:s9], [sflag:$0x2] =	stream.indirect.gather [hbm4b:s2+s6], $0x80, s6, s6, $0xb8;
	[tilespmem:$0x8400] =	vst v63  }
0x5b: {  	_ = 	snop  }
0x5c: {  	[hbm4b:s10+s3] =	stream.linear.scatter [tilespmem:s7], [sflag:$0x3], $0x4000, $0x38;
	[tilespmem:$0x8400] =	vst v63  }
0x5d: {  	_ =	swait.ge [sflag:s11], $0x4000  }
0x5e: {  	[sflag:s11] =	ssyncset.done $0x0  }
0x5f: {  	[sflag:s11] =	ssyncadd.s32 $0xFFFFC000  }
0x60: {  	_ =	swait.ge [sflag:s12], $0x4000  }
0x61: {  	[sflag:s12] =	ssyncset.done $0x0  }
0x62: {  	[sflag:s12] =	ssyncadd.s32 $0xFFFFC000  }
0x63: {  	[tilespmem:s7], [sflag:$0x1] =	stream.indirect.gather [hbm4b:s2+s6], $0x80, s13, s6, $0xb8;
	[tilespmem:$0x8400] =	vst v63  }
0x64: {  	_ = 	snop  }
0x65: {  	[hbm4b:s14+s3] =	stream.linear.scatter [tilespmem:s9], [sflag:$0x4], $0x4000, $0x38;
	[tilespmem:$0x8400] =	vst v63  }
0x66: {  	_ =	swait.ge [sflag:s8], $0x4000  }
0x67: {  	[sflag:s8] =	ssyncset.done $0x0  }
0x68: {  	[sflag:s8] =	ssyncadd.s32 $0xFFFFC000  }
0x69: {  	_ =	swait.ge [sflag:s15], $0x4000  }
0x6a: {  	[sflag:s15] =	ssyncset.done $0x0  }
0x6b: {  	[sflag:s15] =	ssyncadd.s32 $0xFFFFC000  }
0x6c: {  	[tilespmem:s9], [sflag:$0x2] =	stream.indirect.gather [hbm4b:s2+s6], $0x80, s16, s6, $0xb8;
	[tilespmem:$0x8400] =	vst v63  }
0x6d: {  	_ = 	snop  }
0x6e: {  	[hbm4b:s17+s3] =	stream.linear.scatter [tilespmem:s7], [sflag:$0x3], $0x4000, $0x38;
	[tilespmem:$0x8400] =	vst v63  }
0x6f: {  	_ =	swait.ge [sflag:s11], $0x4000  }
0x70: {  	[sflag:s11] =	ssyncset.done $0x0  }
0x71: {  	[sflag:s11] =	ssyncadd.s32 $0xFFFFC000  }
0x72: {  	_ =	swait.ge [sflag:s12], $0x4000  }
0x73: {  	[sflag:s12] =	ssyncset.done $0x0  }
0x74: {  	[sflag:s12] =	ssyncadd.s32 $0xFFFFC000  }
0x75: {  	[tilespmem:s7], [sflag:$0x1] =	stream.indirect.gather [hbm4b:s2+s6], $0x80, s18, s6, $0xb8;
	[tilespmem:$0x8400] =	vst v63  }
0x76: {  	_ = 	snop  }
0x77: {  	[hbm4b:s19+s3] =	stream.linear.scatter [tilespmem:s9], [sflag:$0x4], $0x4000, $0x38;
	[tilespmem:$0x8400] =	vst v63  }
0x78: {  	_ =	swait.ge [sflag:s8], $0x4000  }
0x79: {  	[sflag:s8] =	ssyncset.done $0x0  }
0x7a: {  	[sflag:s8] =	ssyncadd.s32 $0xFFFFC000  }
0x7b: {  	_ =	swait.ge [sflag:s15], $0x4000  }
0x7c: {  	[sflag:s15] =	ssyncset.done $0x0  }
0x7d: {  	[sflag:s15] =	ssyncadd.s32 $0xFFFFC000  }
0x7e: {  	[tilespmem:s9], [sflag:$0x2] =	stream.indirect.gather [hbm4b:s2+s6], $0x80, s20, s6, $0xb8;
	[tilespmem:$0x8400] =	vst v63  }
0x7f: {  	_ = 	snop  }
0x80: {  	[hbm4b:s21+s3] =	stream.linear.scatter [tilespmem:s7], [sflag:$0x3], $0x4000, $0x38;
	[tilespmem:$0x8400] =	vst v63  }
0x81: {  	_ =	swait.ge [sflag:s11], $0x4000  }
0x82: {  	[sflag:s11] =	ssyncset.done $0x0  }
0x83: {  	[sflag:s11] =	ssyncadd.s32 $0xFFFFC000  }
0x84: {  	_ =	swait.ge [sflag:s12], $0x4000  }
0x85: {  	[sflag:s12] =	ssyncset.done $0x0  }
0x86: {  	[sflag:s12] =	ssyncadd.s32 $0xFFFFC000  }
0x87: {  	[tilespmem:s7], [sflag:$0x1] =	stream.indirect.gather [hbm4b:s2+s6], $0x80, s22, s6, $0xb8;
	[tilespmem:$0x8400] =	vst v63  }
0x88: {  	_ = 	snop  }
0x89: {  	[hbm4b:s23+s3] =	stream.linear.scatter [tilespmem:s9], [sflag:$0x4], $0x4000, $0x38;
	[tilespmem:$0x8400] =	vst v63  }
0x8a: {  	_ =	swait.ge [sflag:s8], $0x4000  }
0x8b: {  	[sflag:s8] =	ssyncset.done $0x0  }
0x8c: {  	[sflag:s8] =	ssyncadd.s32 $0xFFFFC000  }
0x8d: {  	_ =	swait.ge [sflag:s15], $0x4000  }
0x8e: {  	[sflag:s15] =	ssyncset.done $0x0  }
0x8f: {  	[sflag:s15] =	ssyncadd.s32 $0xFFFFC000  }
0x90: {  	[tilespmem:s9], [sflag:$0x2] =	stream.indirect.gather [hbm4b:s2+s6], $0x80, s24, s6, $0xb8;
	[tilespmem:$0x8400] =	vst v63  }
0x91: {  	_ = 	snop  }
0x92: {  	[hbm4b:s25+s3] =	stream.linear.scatter [tilespmem:s7], [sflag:$0x3], $0x4000, $0x38;
	[tilespmem:$0x8400] =	vst v63  }
0x93: {  	_ =	swait.ge [sflag:s11], $0x4000  }
0x94: {  	[sflag:s11] =	ssyncset.done $0x0  }
0x95: {  	[sflag:s11] =	ssyncadd.s32 $0xFFFFC000  }
0x96: {  	[hbm4b:s26+s3] =	stream.linear.scatter [tilespmem:s9], [sflag:$0x4], $0x4000, $0x38;
	[tilespmem:$0x8400] =	vst v63  }
.Ltmp1:
0x97: {  	_ =	swait.ge [sflag:s12], $0x4000;
	(pc) =	sbr.rel @p0 .LBB2_1-.Ltmp1, $4  }
0x98: {  	[sflag:s12] =	ssyncset.done $0x0  }
0x99: {  	[sflag:s12] =	ssyncadd.s32 $0xFFFFC000  }
0x9a: {  	_ =	swait.ge [sflag:s15], $0x4000  }
0x9b: {  	[sflag:s15] =	ssyncset.done $0x0  }
.LBB2_2:
0x9c: {  	[sflag:s15] =	ssyncadd.s32 $0xFFFFC000  }
0x9d: {  	_ =	sfence.sel $0x180000  }
0x9e: {  	[bflag:$0x0] =	sbarrier.arrive $0xFFFF  }
0x9f: {  	p0 =	sne.s32 s0, $0x0;
	_ =	strace $0x90000047  }
0xa0: {  	s0 =	sadd.s32 @!p0 $0x100000, s1;
	[bflag:$0x2] =	sbarrier.arrive $0xFFFF  }
0xa1: {  	[sflag:s0] =	ssyncadd.tile.s32 @!p0 $0x1;
	_ =	shalt  }
.Lfunc_end2:
_tile_overlayer_lowered:
.L_overlay_start_2:
0xa2: {  	(tag) =	ssettag $0x2  }
0xa3: {  	s0 =	rddreg [dreg:$0x0];
	s2 =	stileid.u32  }
0xa4: {  	s1 =	rddreg [dreg:$0x1];
	p0 =	sne.s32 s2, $0x0  }
0xa5: {  	s3 =	rddreg [dreg:$0x2];
	[bflag:$0x3] =	sbarrier.arrive $0xFFFF;
	s2 =	simm.s32 @!p0 $0x1C05  }
0xa6: {  	[timem:s3], [sflag:s2] =	dma.local @!p0 [hbm:s0], s1  }
0xa7: {  	s0 =	simm.s32 @!p0 $0x5  }
0xa8: {  	_ =	swait.ge @!p0 [sflag:s0], s1  }
0xa9: {  	s1 =	ssub.s32 @!p0 $0x0, s1;
	[sflag:s0] =	ssyncset.done @!p0 $0x0  }
0xaa: {  	[sflag:s0] =	ssyncadd.s32 @!p0 s1  }
0xab: {  	[bflag:$0x3] =	sbarrier.arrive $0xFFFF  }
0xac: {  	_ =	shalt  }

</sc_bundles>
